<compile_context>
chip_gen: v7x
topology: tpu7x:2x2x1
jax: 0.10.2.dev20260603
libtpu: 0.0.44.dev20260713+nightly
codegen_flags: <defaults>
</compile_context>

<pallas_src>
import jax
import jax.numpy as jnp
from jax import lax
from jax.experimental import pallas as pl
from jax.experimental.pallas import tpu as pltpu

_NC = 21
_P = 8732
_PP = 8832
_B = 8
_K = 200
_IOU_T = 0.45
_SCORE_T = 0.01


def _prep_body(cls_ref, off_ref, pb_ref, probs_ref, box_ref):
    s = cls_ref[0]
    m = jnp.max(s, axis=0, keepdims=True)
    e = jnp.exp(s - m)
    z = jnp.sum(e, axis=0, keepdims=True)
    p = e[1:, :] / z
    valid = lax.broadcasted_iota(jnp.int32, (1, _PP), 1) < _P
    probs_ref[0] = jnp.where(valid, p, 0.0)

    off = off_ref[0]
    pb = pb_ref[...]
    cx = off[0:1] * pb[2:3] / 10.0 + pb[0:1]
    cy = off[1:2] * pb[3:4] / 10.0 + pb[1:2]
    w = jnp.exp(off[2:3] / 5.0) * pb[2:3]
    h = jnp.exp(off[3:4] / 5.0) * pb[3:4]
    box_ref[0] = jnp.concatenate(
        [cx - w / 2.0, cy - h / 2.0, cx + w / 2.0, cy + h / 2.0], axis=0)


def _nms_body(a_ref, b_ref, v_ref, ks_ref, kb_ref, iou_ref):
    for c in range(_NC - 1):
        a = a_ref[0, c]
        b = b_ref[0, c]
        x1c, y1c = a[:, 0:1], a[:, 1:2]
        x2c, y2c = a[:, 2:3], a[:, 3:4]
        x1r, y1r = b[0:1, :], b[1:2, :]
        x2r, y2r = b[2:3, :], b[3:4, :]
        wx = jnp.maximum(jnp.minimum(x2c, x2r) - jnp.maximum(x1c, x1r), 0.0)
        wy = jnp.maximum(jnp.minimum(y2c, y2r) - jnp.maximum(y1c, y1r), 0.0)
        inter = wx * wy
        area_c = (x2c - x1c) * (y2c - y1c)
        area_r = (x2r - x1r) * (y2r - y1r)
        union = area_c + area_r - inter
        iou_ref[:, c, :] = inter / jnp.maximum(union, 1e-10)

    col = lax.broadcasted_iota(jnp.int32, (_NC - 1, _K), 1)

    def body(i, sup):
        row = iou_ref[pl.ds(i, 1)][0]
        rowgt = jnp.where(row > _IOU_T, 1.0, 0.0)
        noti = jnp.where(col == i, 0.0, 1.0)
        cand = jnp.minimum(sup + rowgt, 1.0) * noti
        sup_i = jnp.max(sup * (1.0 - noti), axis=1, keepdims=True)
        return sup_i * sup + (1.0 - sup_i) * cand

    sup = lax.fori_loop(0, _K, body, jnp.zeros((_NC - 1, _K), jnp.float32))

    v = v_ref[0]
    keepf = (1.0 - sup) * jnp.where(v > _SCORE_T, 1.0, 0.0)
    ks_ref[0] = v * keepf
    kb_ref[0] = a_ref[0] * keepf[:, :, None]


def _merge_body(s_ref, v_ref, i_ref):
    s = s_ref[...]
    iota = lax.broadcasted_iota(jnp.int32, s.shape, 1)
    col = lax.broadcasted_iota(jnp.int32, (_B, _K), 1)

    def body(k, carry):
        s, vacc, iacc = carry
        m = jnp.max(s, axis=1, keepdims=True)
        fid = jnp.where(s == m, iota, jnp.int32(1 << 30))
        j = jnp.min(fid, axis=1, keepdims=True)
        vacc = jnp.where(col == k, m, vacc)
        iacc = jnp.where(col == k, j, iacc)
        s = jnp.where(iota == j, jnp.float32(-2.0), s)
        return s, vacc, iacc

    _, vacc, iacc = lax.fori_loop(
        0, _K, body,
        (s, jnp.zeros((_B, _K), jnp.float32), jnp.zeros((_B, _K), jnp.int32)))
    v_ref[...] = vacc
    i_ref[...] = iacc


def kernel(offsets_pred, cls_scores_pred, pboxes):
    pad = _PP - _P
    cls_t = jnp.pad(jnp.transpose(cls_scores_pred, (0, 2, 1)),
                    ((0, 0), (0, 0), (0, pad)))
    off_t = jnp.pad(jnp.transpose(offsets_pred, (0, 2, 1)),
                    ((0, 0), (0, 0), (0, pad)))
    pb_t = jnp.pad(pboxes.T, ((0, 0), (0, pad)))

    probs, boxes_t = pl.pallas_call(
        _prep_body,
        grid=(_B,),
        in_specs=[
            pl.BlockSpec((1, _NC, _PP), lambda b: (b, 0, 0)),
            pl.BlockSpec((1, 4, _PP), lambda b: (b, 0, 0)),
            pl.BlockSpec((4, _PP), lambda b: (0, 0)),
        ],
        out_specs=[
            pl.BlockSpec((1, _NC - 1, _PP), lambda b: (b, 0, 0)),
            pl.BlockSpec((1, 4, _PP), lambda b: (b, 0, 0)),
        ],
        out_shape=[
            jax.ShapeDtypeStruct((_B, _NC - 1, _PP), jnp.float32),
            jax.ShapeDtypeStruct((_B, 4, _PP), jnp.float32),
        ],
    )(cls_t, off_t, pb_t)

    vals, idx = lax.approx_max_k(probs.reshape(_B * (_NC - 1), _PP), _K,
                                 recall_target=1.0, aggregate_to_topk=True)
    boxes_p = jnp.transpose(boxes_t, (0, 2, 1))
    idx_b = idx.reshape(_B, (_NC - 1) * _K)
    cand = jnp.take_along_axis(boxes_p, idx_b[:, :, None], axis=1)
    cand_a = cand.reshape(_B, _NC - 1, _K, 4)
    cand_b = jnp.transpose(cand_a, (0, 1, 3, 2))
    vals3 = vals.reshape(_B, _NC - 1, _K)

    kept_s, kept_b = pl.pallas_call(
        _nms_body,
        grid=(_B,),
        in_specs=[
            pl.BlockSpec((1, _NC - 1, _K, 4), lambda b: (b, 0, 0, 0)),
            pl.BlockSpec((1, _NC - 1, 4, _K), lambda b: (b, 0, 0, 0)),
            pl.BlockSpec((1, _NC - 1, _K), lambda b: (b, 0, 0)),
        ],
        out_specs=[
            pl.BlockSpec((1, _NC - 1, _K), lambda b: (b, 0, 0)),
            pl.BlockSpec((1, _NC - 1, _K, 4), lambda b: (b, 0, 0, 0)),
        ],
        out_shape=[
            jax.ShapeDtypeStruct((_B, _NC - 1, _K), jnp.float32),
            jax.ShapeDtypeStruct((_B, _NC - 1, _K, 4), jnp.float32),
        ],
        scratch_shapes=[pltpu.VMEM((_K, _NC - 1, _K), jnp.float32)],
    )(cand_a, cand_b, vals3)

    flat_s = jnp.pad(kept_s.reshape(_B, (_NC - 1) * _K),
                     ((0, 0), (0, 4096 - (_NC - 1) * _K)),
                     constant_values=-1.0)
    top_vals, top_idx = pl.pallas_call(
        _merge_body,
        out_shape=[
            jax.ShapeDtypeStruct((_B, _K), jnp.float32),
            jax.ShapeDtypeStruct((_B, _K), jnp.int32),
        ],
    )(flat_s)

    flat_boxes = kept_b.reshape(_B, (_NC - 1) * _K, 4)
    out_boxes = jnp.take_along_axis(flat_boxes, top_idx[:, :, None], axis=1)
    out_labels = (top_idx // _K + 1) * (top_vals > 0).astype(jnp.int32)
    return out_boxes, top_vals, out_labels

# --- scband reference (transcript-rebuilt; emitter-appended) ---
"""Pipeline reference for scband-ssd300-80333068304888 (READ-ONLY COPY).

The authoritative reference and input builder live on the scoring server;
editing this copy changes nothing except your own understanding.
"""

import jax, jax.numpy as jnp
import numpy as np

N_CLASSES = 21
N_PRIORS = 8732
BATCH = 8
CAND = 200
TOPK = 200
NMS_THRESHOLD = 0.45
SCORE_THRESHOLD = 0.01


def setup_inputs(seed: int = 0):
    key = jax.random.key(seed)
    k1, k2, k3, k4 = jax.random.split(key, 4)
    offsets_pred = jax.random.normal(k1, (BATCH, N_PRIORS, 4), dtype=jnp.float32) * 0.5
    cls_scores_pred = jax.random.normal(k2, (BATCH, N_PRIORS, N_CLASSES), dtype=jnp.float32)
    centers = jax.random.uniform(k3, (N_PRIORS, 2), minval=0.05, maxval=0.95, dtype=jnp.float32)
    wh = jax.random.uniform(k4, (N_PRIORS, 2), minval=0.05, maxval=0.4, dtype=jnp.float32)
    pboxes = jnp.concatenate([centers, wh], axis=1)
    return {"offsets_pred": offsets_pred, "cls_scores_pred": cls_scores_pred, "pboxes": pboxes}


def decode_offsets(offsets, pboxes):
    # OffsetCoord.decode (gcxgcy -> cxcy) followed by BoundaryCoord.encode (cxcy -> xyxy)
    cxcy = offsets[:, :2] * pboxes[:, 2:] / 10.0 + pboxes[:, :2]
    wh = jnp.exp(offsets[:, 2:] / 5.0) * pboxes[:, 2:]
    return jnp.concatenate([cxcy - wh / 2.0, cxcy + wh / 2.0], axis=1)


def pairwise_iou(a, b):
    # find_jaccard_overlap
    lt = jnp.maximum(a[:, None, :2], b[None, :, :2])
    rb = jnp.minimum(a[:, None, 2:], b[None, :, 2:])
    wh = jnp.clip(rb - lt, 0.0)
    inter = wh[..., 0] * wh[..., 1]
    area_a = (a[:, 2] - a[:, 0]) * (a[:, 3] - a[:, 1])
    area_b = (b[:, 2] - b[:, 0]) * (b[:, 3] - b[:, 1])
    union = area_a[:, None] + area_b[None, :] - inter
    return inter / jnp.maximum(union, 1e-10)


def nms_single_class(scores_c, boxes_dec):
    # threshold + descending sort realized as fixed-size top-k (scores below CAND-th are padding)
    vals, idx = jax.lax.top_k(scores_c, CAND)
    cand_boxes = jnp.take(boxes_dec, idx, axis=0)
    iou = jax.lax.stop_gradient(pairwise_iou(cand_boxes, cand_boxes))
    sup0 = jnp.zeros((CAND,), dtype=bool)

    def body(i, sup):
        row = jnp.logical_or(sup, iou[i] > NMS_THRESHOLD).at[i].set(False)
        return jnp.where(sup[i], sup, row)

    sup = jax.lax.fori_loop(0, CAND, body, sup0)
    keep = jnp.logical_and(jnp.logical_not(sup), vals > SCORE_THRESHOLD)
    kept_scores = jnp.where(keep, vals, 0.0)
    kept_boxes = cand_boxes * keep[:, None].astype(cand_boxes.dtype)
    return kept_boxes, kept_scores


def reference(offsets_pred, cls_scores_pred, pboxes):
    probs = jax.nn.softmax(cls_scores_pred, axis=2)
    boxes_dec = jax.vmap(decode_offsets, in_axes=(0, None))(offsets_pred, pboxes)  # [M, P, 4]
    cls_scores = jnp.transpose(probs[:, :, 1:], (0, 2, 1))  # [M, C-1, P] (skip background class 0)
    nms_over_classes = jax.vmap(nms_single_class, in_axes=(0, None))
    nms_over_batch = jax.vmap(nms_over_classes, in_axes=(0, 0))
    kb, ks = nms_over_batch(cls_scores, boxes_dec)  # [M, C-1, CAND, 4], [M, C-1, CAND]
    labels = jnp.arange(1, N_CLASSES, dtype=jnp.int32)[None, :, None] * (ks > 0).astype(jnp.int32)
    flat_scores = ks.reshape(BATCH, -1)
    flat_boxes = kb.reshape(BATCH, -1, 4)
    flat_labels = labels.reshape(BATCH, -1)
    top_vals, top_idx = jax.lax.top_k(flat_scores, TOPK)  # keep only the top 'k' overall
    out_boxes = jnp.take_along_axis(flat_boxes, top_idx[:, :, None], axis=1)
    out_labels = jnp.take_along_axis(flat_labels, top_idx, axis=1)
    return out_boxes, top_vals, out_labels

if __name__ == "__main__":
    import jax
    _d = setup_inputs()
    print(jax.jit(kernel)(*tuple(_d.values())))

</pallas_src>

<mosaic_0001>
module attributes {stable_mosaic.version = 14 : i64} {
  func.func @_prep_body(%arg0: i32, %arg1: memref<1x21x8832xf32, #tpu.memory_space<vmem>>, %arg2: memref<1x4x8832xf32, #tpu.memory_space<vmem>>, %arg3: memref<4x8832xf32, #tpu.memory_space<vmem>>, %arg4: memref<1x20x8832xf32, #tpu.memory_space<vmem>>, %arg5: memref<1x4x8832xf32, #tpu.memory_space<vmem>>) attributes {dimension_semantics = [#tpu.dimension_semantics<arbitrary>], iteration_bounds = array<i64: 8>, scalar_prefetch = 0 : i64, scratch_operands = 0 : i64, tpu.core_type = #tpu.core_type<tc>, window_params = [{transform_indices = @transform_0, window_bounds = array<i64: 1, 21, 8832>}, {transform_indices = @transform_1, window_bounds = array<i64: 1, 4, 8832>}, {pipeline_mode = #tpu.pipeline_mode<synchronous>, transform_indices = @transform_2, window_bounds = array<i64: 4, 8832>}, {transform_indices = @transform_3, window_bounds = array<i64: 1, 20, 8832>}, {transform_indices = @transform_4, window_bounds = array<i64: 1, 4, 8832>}]} {
    %get3A = arith.constant 0 : index
    %get3A_0 = arith.constant 0 : index
    %get3A_1 = arith.constant 0 : index
    %get3A_2 = vector.load %arg1[%get3A, %get3A_0, %get3A_1] : memref<1x21x8832xf32, #tpu.memory_space<vmem>>, vector<1x21x8832xf32>
    %get3A_3 = vector.shape_cast %get3A_2 : vector<1x21x8832xf32> to vector<21x8832xf32>
    %reduce_max3A = arith.constant dense<0xFF800000> : vector<8832xf32>
    %reduce_max3A_4 = vector.multi_reduction <maximumf>, %get3A_3, %reduce_max3A [0] : vector<21x8832xf32> to vector<8832xf32>
    %broadcast_in_dim3A = vector.shape_cast %reduce_max3A_4 : vector<8832xf32> to vector<1x8832xf32>
    %sub3A = vector.broadcast %broadcast_in_dim3A : vector<1x8832xf32> to vector<21x8832xf32>
    %sub3A_5 = arith.subf %get3A_3, %sub3A : vector<21x8832xf32>
    %exp3A = math.exp %sub3A_5 : vector<21x8832xf32>
    %reduce_sum3A = arith.constant dense<0.000000e+00> : vector<8832xf32>
    %reduce_sum3A_6 = vector.multi_reduction <add>, %exp3A, %reduce_sum3A [0] : vector<21x8832xf32> to vector<8832xf32>
    %broadcast_in_dim3A_7 = vector.shape_cast %reduce_sum3A_6 : vector<8832xf32> to vector<1x8832xf32>
    %slice3A = vector.extract_strided_slice %exp3A {offsets = [1, 0], sizes = [20, 8832], strides = [1, 1]} : vector<21x8832xf32> to vector<20x8832xf32>
    %div3A = vector.broadcast %broadcast_in_dim3A_7 : vector<1x8832xf32> to vector<20x8832xf32>
    %div3A_8 = arith.divf %slice3A, %div3A : vector<20x8832xf32>
    %iota3A = tpu.iota {dimensions = array<i32: 1>} : vector<1x8832xi32>
    %lt3A = arith.constant 8732 : i32
    %lt3A_9 = vector.broadcast %lt3A : i32 to vector<1x8832xi32>
    %lt3A_10 = arith.cmpi slt, %iota3A, %lt3A_9 : vector<1x8832xi32>
    %jit3A = arith.constant 0.000000e+00 : f32
    %broadcast_in_dim3A_11 = vector.shape_cast %lt3A_10 : vector<1x8832xi1> to vector<1x8832xi1>
    %broadcast_in_dim3A_12 = vector.broadcast %broadcast_in_dim3A_11 : vector<1x8832xi1> to vector<20x8832xi1>
    %broadcast_in_dim3A_13 = vector.broadcast %jit3A : f32 to vector<20x8832xf32>
    %select_n3A = arith.select %broadcast_in_dim3A_12, %div3A_8, %broadcast_in_dim3A_13 : vector<20x8832xi1>, vector<20x8832xf32>
    %swap3A = arith.constant 0 : index
    %swap3A_14 = arith.constant 0 : index
    %swap3A_15 = arith.constant 0 : index
    %swap3A_16 = vector.load %arg4[%swap3A, %swap3A_14, %swap3A_15] : memref<1x20x8832xf32, #tpu.memory_space<vmem>>, vector<1x20x8832xf32>
    %swap3A_17 = vector.shape_cast %swap3A_16 : vector<1x20x8832xf32> to vector<20x8832xf32>
    %swap3A_18 = vector.shape_cast %select_n3A : vector<20x8832xf32> to vector<1x20x8832xf32>
    tpu.vector_store %arg4[%swap3A, %swap3A_14, %swap3A_15], %swap3A_18 {strides = array<i32>} : memref<1x20x8832xf32, #tpu.memory_space<vmem>>, vector<1x20x8832xf32>,
    %get3A_19 = arith.constant 0 : index
    %get3A_20 = arith.constant 0 : index
    %get3A_21 = arith.constant 0 : index
    %get3A_22 = vector.load %arg2[%get3A_19, %get3A_20, %get3A_21] : memref<1x4x8832xf32, #tpu.memory_space<vmem>>, vector<1x4x8832xf32>
    %get3A_23 = vector.shape_cast %get3A_22 : vector<1x4x8832xf32> to vector<4x8832xf32>
    %get3A_24 = arith.constant 0 : index
    %get3A_25 = arith.constant 0 : index
    %get3A_26 = vector.load %arg3[%get3A_24, %get3A_25] : memref<4x8832xf32, #tpu.memory_space<vmem>>, vector<4x8832xf32>
    %slice3A_27 = vector.extract_strided_slice %get3A_23 {offsets = [0, 0], sizes = [1, 8832], strides = [1, 1]} : vector<4x8832xf32> to vector<1x8832xf32>
    %slice3A_28 = vector.extract_strided_slice %get3A_26 {offsets = [2, 0], sizes = [1, 8832], strides = [1, 1]} : vector<4x8832xf32> to vector<1x8832xf32>
    %mul3A = arith.mulf %slice3A_27, %slice3A_28 : vector<1x8832xf32>
    %div3A_29 = arith.constant 1.000000e+01 : f32
    %div3A_30 = vector.broadcast %div3A_29 : f32 to vector<1x8832xf32>
    %div3A_31 = arith.divf %mul3A, %div3A_30 : vector<1x8832xf32>
    %slice3A_32 = vector.extract_strided_slice %get3A_26 {offsets = [0, 0], sizes = [1, 8832], strides = [1, 1]} : vector<4x8832xf32> to vector<1x8832xf32>
    %add3A = arith.addf %div3A_31, %slice3A_32 : vector<1x8832xf32>
    %slice3A_33 = vector.extract_strided_slice %get3A_23 {offsets = [1, 0], sizes = [1, 8832], strides = [1, 1]} : vector<4x8832xf32> to vector<1x8832xf32>
    %slice3A_34 = vector.extract_strided_slice %get3A_26 {offsets = [3, 0], sizes = [1, 8832], strides = [1, 1]} : vector<4x8832xf32> to vector<1x8832xf32>
    %mul3A_35 = arith.mulf %slice3A_33, %slice3A_34 : vector<1x8832xf32>
    %div3A_36 = arith.constant 1.000000e+01 : f32
    %div3A_37 = vector.broadcast %div3A_36 : f32 to vector<1x8832xf32>
    %div3A_38 = arith.divf %mul3A_35, %div3A_37 : vector<1x8832xf32>
    %slice3A_39 = vector.extract_strided_slice %get3A_26 {offsets = [1, 0], sizes = [1, 8832], strides = [1, 1]} : vector<4x8832xf32> to vector<1x8832xf32>
    %add3A_40 = arith.addf %div3A_38, %slice3A_39 : vector<1x8832xf32>
    %slice3A_41 = vector.extract_strided_slice %get3A_23 {offsets = [2, 0], sizes = [1, 8832], strides = [1, 1]} : vector<4x8832xf32> to vector<1x8832xf32>
    %div3A_42 = arith.constant 5.000000e+00 : f32
    %div3A_43 = vector.broadcast %div3A_42 : f32 to vector<1x8832xf32>
    %div3A_44 = arith.divf %slice3A_41, %div3A_43 : vector<1x8832xf32>
    %exp3A_45 = math.exp %div3A_44 : vector<1x8832xf32>
    %slice3A_46 = vector.extract_strided_slice %get3A_26 {offsets = [2, 0], sizes = [1, 8832], strides = [1, 1]} : vector<4x8832xf32> to vector<1x8832xf32>
    %mul3A_47 = arith.mulf %exp3A_45, %slice3A_46 : vector<1x8832xf32>
    %slice3A_48 = vector.extract_strided_slice %get3A_23 {offsets = [3, 0], sizes = [1, 8832], strides = [1, 1]} : vector<4x8832xf32> to vector<1x8832xf32>
    %div3A_49 = arith.constant 5.000000e+00 : f32
    %div3A_50 = vector.broadcast %div3A_49 : f32 to vector<1x8832xf32>
    %div3A_51 = arith.divf %slice3A_48, %div3A_50 : vector<1x8832xf32>
    %exp3A_52 = math.exp %div3A_51 : vector<1x8832xf32>
    %slice3A_53 = vector.extract_strided_slice %get3A_26 {offsets = [3, 0], sizes = [1, 8832], strides = [1, 1]} : vector<4x8832xf32> to vector<1x8832xf32>
    %mul3A_54 = arith.mulf %exp3A_52, %slice3A_53 : vector<1x8832xf32>
    %div3A_55 = arith.constant 2.000000e+00 : f32
    %div3A_56 = vector.broadcast %div3A_55 : f32 to vector<1x8832xf32>
    %div3A_57 = arith.divf %mul3A_47, %div3A_56 : vector<1x8832xf32>
    %sub3A_58 = arith.subf %add3A, %div3A_57 : vector<1x8832xf32>
    %div3A_59 = arith.constant 2.000000e+00 : f32
    %div3A_60 = vector.broadcast %div3A_59 : f32 to vector<1x8832xf32>
    %div3A_61 = arith.divf %mul3A_54, %div3A_60 : vector<1x8832xf32>
    %sub3A_62 = arith.subf %add3A_40, %div3A_61 : vector<1x8832xf32>
    %div3A_63 = arith.constant 2.000000e+00 : f32
    %div3A_64 = vector.broadcast %div3A_63 : f32 to vector<1x8832xf32>
    %div3A_65 = arith.divf %mul3A_47, %div3A_64 : vector<1x8832xf32>
    %add3A_66 = arith.addf %add3A, %div3A_65 : vector<1x8832xf32>
    %div3A_67 = arith.constant 2.000000e+00 : f32
    %div3A_68 = vector.broadcast %div3A_67 : f32 to vector<1x8832xf32>
    %div3A_69 = arith.divf %mul3A_54, %div3A_68 : vector<1x8832xf32>
    %add3A_70 = arith.addf %add3A_40, %div3A_69 : vector<1x8832xf32>
    %concatenate3A = tpu.concatenate %sub3A_58, %sub3A_62, %add3A_66, %add3A_70 in 0 : vector<1x8832xf32>, vector<1x8832xf32>, vector<1x8832xf32>, vector<1x8832xf32> -> vector<4x8832xf32>
    %swap3A_71 = arith.constant 0 : index
    %swap3A_72 = arith.constant 0 : index
    %swap3A_73 = arith.constant 0 : index
    %swap3A_74 = vector.load %arg5[%swap3A_71, %swap3A_72, %swap3A_73] : memref<1x4x8832xf32, #tpu.memory_space<vmem>>, vector<1x4x8832xf32>
    %swap3A_75 = vector.shape_cast %swap3A_74 : vector<1x4x8832xf32> to vector<4x8832xf32>
    %swap3A_76 = vector.shape_cast %concatenate3A : vector<4x8832xf32> to vector<1x4x8832xf32>
    tpu.vector_store %arg5[%swap3A_71, %swap3A_72, %swap3A_73], %swap3A_76 {strides = array<i32>} : memref<1x4x8832xf32, #tpu.memory_space<vmem>>, vector<1x4x8832xf32>,
    return
  }
  func.func @transform_0(%arg0: i32) -> (i32, i32, i32) {
    %c0_i32 = arith.constant 0 : i32
    %c0_i32_0 = arith.constant 0 : i32
    %c0_i32_1 = arith.constant 0 : i32
    return %arg0, %c0_i32, %c0_i32_0 : i32, i32, i32
  }
  func.func @transform_1(%arg0: i32) -> (i32, i32, i32) {
    %c0_i32 = arith.constant 0 : i32
    %c0_i32_0 = arith.constant 0 : i32
    %c0_i32_1 = arith.constant 0 : i32
    return %arg0, %c0_i32, %c0_i32_0 : i32, i32, i32
  }
  func.func @transform_2(%arg0: i32) -> (i32, i32) {
    %c0_i32 = arith.constant 0 : i32
    %c0_i32_0 = arith.constant 0 : i32
    %c0_i32_1 = arith.constant 0 : i32
    return %c0_i32, %c0_i32_0 : i32, i32
  }
  func.func @transform_3(%arg0: i32) -> (i32, i32, i32) {
    %c0_i32 = arith.constant 0 : i32
    %c0_i32_0 = arith.constant 0 : i32
    %c0_i32_1 = arith.constant 0 : i32
    return %arg0, %c0_i32, %c0_i32_0 : i32, i32, i32
  }
  func.func @transform_4(%arg0: i32) -> (i32, i32, i32) {
    %c0_i32 = arith.constant 0 : i32
    %c0_i32_0 = arith.constant 0 : i32
    %c0_i32_1 = arith.constant 0 : i32
    return %arg0, %c0_i32, %c0_i32_0 : i32, i32, i32
  }
}

module attributes {stable_mosaic.version = 14 : i64} {
  func.func @_merge_body(%arg0: memref<8x4096xf32, #tpu.memory_space<vmem>>, %arg1: memref<8x200xf32, #tpu.memory_space<vmem>>, %arg2: memref<8x200xi32, #tpu.memory_space<vmem>>) attributes {dimension_semantics = [], scalar_prefetch = 0 : i64, scratch_operands = 0 : i64, tpu.core_type = #tpu.core_type<tc>} {
    %get3A = arith.constant 0 : index
    %get3A_0 = arith.constant 0 : index
    %get3A_1 = vector.load %arg0[%get3A, %get3A_0] : memref<8x4096xf32, #tpu.memory_space<vmem>>, vector<8x4096xf32>
    %iota3A = tpu.iota {dimensions = array<i32: 1>} : vector<8x4096xi32>
    %iota3A_2 = tpu.iota {dimensions = array<i32: 1>} : vector<8x200xi32>
    %broadcast_in_dim3A = arith.constant 0.000000e+00 : f32
    %broadcast_in_dim3A_3 = vector.broadcast %broadcast_in_dim3A : f32 to vector<8x200xf32>
    %broadcast_in_dim3A_4 = arith.constant 0 : i32
    %broadcast_in_dim3A_5 = vector.broadcast %broadcast_in_dim3A_4 : i32 to vector<8x200xi32>
    %scan3A = arith.constant 0 : i32
    %scan3A_6 = arith.constant 200 : i32
    %scan3A_7 = arith.addi %scan3A, %scan3A_6 : i32
    %scan3A_8 = arith.constant 1 : i32
    %scan3A_9:3 = scf.for %scan3A_16 = %scan3A to %scan3A_7 step %scan3A_8 iter_args(%scan3A_17 = %get3A_1, %scan3A_18 = %broadcast_in_dim3A_3, %scan3A_19 = %broadcast_in_dim3A_5) -> (vector<8x4096xf32>, vector<8x200xf32>, vector<8x200xi32>)  : i32 {
      %reduce_max3A = arith.constant dense<0xFF800000> : vector<8xf32>
      %reduce_max3A_20 = vector.multi_reduction <maximumf>, %scan3A_17, %reduce_max3A [1] : vector<8x4096xf32> to vector<8xf32>
      %broadcast_in_dim3A_21 = vector.shape_cast %reduce_max3A_20 : vector<8xf32> to vector<8x1xf32>
      %eq3A = vector.broadcast %broadcast_in_dim3A_21 : vector<8x1xf32> to vector<8x4096xf32>
      %eq3A_22 = arith.cmpf oeq, %scan3A_17, %eq3A : vector<8x4096xf32>
      %jit3A = arith.constant 1073741824 : i32
      %broadcast_in_dim3A_23 = vector.broadcast %jit3A : i32 to vector<8x4096xi32>
      %select_n3A = arith.select %eq3A_22, %iota3A, %broadcast_in_dim3A_23 : vector<8x4096xi1>, vector<8x4096xi32>
      %reduce_min3A = arith.constant dense<2147483647> : vector<8xi32>
      %reduce_min3A_24 = vector.multi_reduction <minsi>, %select_n3A, %reduce_min3A [1] : vector<8x4096xi32> to vector<8xi32>
      %broadcast_in_dim3A_25 = vector.shape_cast %reduce_min3A_24 : vector<8xi32> to vector<8x1xi32>
      %eq3A_26 = vector.broadcast %scan3A_16 : i32 to vector<8x200xi32>
      %eq3A_27 = arith.cmpi eq, %iota3A_2, %eq3A_26 : vector<8x200xi32>
      %broadcast_in_dim3A_28 = vector.shape_cast %broadcast_in_dim3A_21 : vector<8x1xf32> to vector<8x1xf32>
      %broadcast_in_dim3A_29 = vector.broadcast %broadcast_in_dim3A_28 : vector<8x1xf32> to vector<8x200xf32>
      %select_n3A_30 = arith.select %eq3A_27, %broadcast_in_dim3A_29, %scan3A_18 : vector<8x200xi1>, vector<8x200xf32>
      %eq3A_31 = vector.broadcast %scan3A_16 : i32 to vector<8x200xi32>
      %eq3A_32 = arith.cmpi eq, %iota3A_2, %eq3A_31 : vector<8x200xi32>
      %broadcast_in_dim3A_33 = vector.shape_cast %broadcast_in_dim3A_25 : vector<8x1xi32> to vector<8x1xi32>
      %broadcast_in_dim3A_34 = vector.broadcast %broadcast_in_dim3A_33 : vector<8x1xi32> to vector<8x200xi32>
      %select_n3A_35 = arith.select %eq3A_32, %broadcast_in_dim3A_34, %scan3A_19 : vector<8x200xi1>, vector<8x200xi32>
      %eq3A_36 = vector.broadcast %broadcast_in_dim3A_25 : vector<8x1xi32> to vector<8x4096xi32>
      %eq3A_37 = arith.cmpi eq, %iota3A, %eq3A_36 : vector<8x4096xi32>
      %jit3A_38 = arith.constant -2.000000e+00 : f32
      %broadcast_in_dim3A_39 = vector.broadcast %jit3A_38 : f32 to vector<8x4096xf32>
      %select_n3A_40 = arith.select %eq3A_37, %broadcast_in_dim3A_39, %scan3A_17 : vector<8x4096xi1>, vector<8x4096xf32>
      scf.yield %select_n3A_40, %select_n3A_30, %select_n3A_35 : vector<8x4096xf32>, vector<8x200xf32>, vector<8x200xi32>
    }
    %scan3A_10 = arith.constant 200 : i32
    %swap3A = arith.constant 0 : index
    %swap3A_11 = arith.constant 0 : index
    %swap3A_12 = vector.load %arg1[%swap3A, %swap3A_11] : memref<8x200xf32, #tpu.memory_space<vmem>>, vector<8x200xf32>
    tpu.vector_store %arg1[%swap3A, %swap3A_11], %scan3A_9#1 {strides = array<i32>} : memref<8x200xf32, #tpu.memory_space<vmem>>, vector<8x200xf32>,
    %swap3A_13 = arith.constant 0 : index
    %swap3A_14 = arith.constant 0 : index
    %swap3A_15 = vector.load %arg2[%swap3A_13, %swap3A_14] : memref<8x200xi32, #tpu.memory_space<vmem>>, vector<8x200xi32>
    tpu.vector_store %arg2[%swap3A_13, %swap3A_14], %scan3A_9#2 {strides = array<i32>} : memref<8x200xi32, #tpu.memory_space<vmem>>, vector<8x200xi32>,
    return
  }
}

module attributes {stable_mosaic.version = 14 : i64} {
  func.func @_nms_body(%arg0: i32, %arg1: memref<1x20x200x4xf32, #tpu.memory_space<vmem>>, %arg2: memref<1x20x4x200xf32, #tpu.memory_space<vmem>>, %arg3: memref<1x20x200xf32, #tpu.memory_space<vmem>>, %arg4: memref<1x20x200xf32, #tpu.memory_space<vmem>>, %arg5: memref<1x20x200x4xf32, #tpu.memory_space<vmem>>, %arg6: memref<200x20x200xf32, #tpu.memory_space<vmem>>) attributes {dimension_semantics = [#tpu.dimension_semantics<arbitrary>], iteration_bounds = array<i64: 8>, scalar_prefetch = 0 : i64, scratch_operands = 1 : i64, tpu.core_type = #tpu.core_type<tc>, window_params = [{transform_indices = @transform_0, window_bounds = array<i64: 1, 20, 200, 4>}, {transform_indices = @transform_1, window_bounds = array<i64: 1, 20, 4, 200>}, {transform_indices = @transform_2, window_bounds = array<i64: 1, 20, 200>}, {transform_indices = @transform_3, window_bounds = array<i64: 1, 20, 200>}, {transform_indices = @transform_4, window_bounds = array<i64: 1, 20, 200, 4>}]} {
    %get3A = arith.constant 0 : index
    %get3A_0 = arith.constant 0 : index
    %get3A_1 = arith.constant 0 : index
    %get3A_2 = arith.constant 0 : index
    %get3A_3 = vector.load %arg1[%get3A, %get3A_0, %get3A_1, %get3A_2] : memref<1x20x200x4xf32, #tpu.memory_space<vmem>>, vector<1x1x200x4xf32>
    %get3A_4 = vector.shape_cast %get3A_3 : vector<1x1x200x4xf32> to vector<200x4xf32>
    %get3A_5 = arith.constant 0 : index
    %get3A_6 = arith.constant 0 : index
    %get3A_7 = arith.constant 0 : index
    %get3A_8 = arith.constant 0 : index
    %get3A_9 = vector.load %arg2[%get3A_5, %get3A_6, %get3A_7, %get3A_8] : memref<1x20x4x200xf32, #tpu.memory_space<vmem>>, vector<1x1x4x200xf32>
    %get3A_10 = vector.shape_cast %get3A_9 : vector<1x1x4x200xf32> to vector<4x200xf32>
    %slice3A = vector.extract_strided_slice %get3A_4 {offsets = [0, 0], sizes = [200, 1], strides = [1, 1]} : vector<200x4xf32> to vector<200x1xf32>
    %slice3A_11 = vector.extract_strided_slice %get3A_4 {offsets = [0, 1], sizes = [200, 1], strides = [1, 1]} : vector<200x4xf32> to vector<200x1xf32>
    %slice3A_12 = vector.extract_strided_slice %get3A_4 {offsets = [0, 2], sizes = [200, 1], strides = [1, 1]} : vector<200x4xf32> to vector<200x1xf32>
    %slice3A_13 = vector.extract_strided_slice %get3A_4 {offsets = [0, 3], sizes = [200, 1], strides = [1, 1]} : vector<200x4xf32> to vector<200x1xf32>
    %slice3A_14 = vector.extract_strided_slice %get3A_10 {offsets = [0, 0], sizes = [1, 200], strides = [1, 1]} : vector<4x200xf32> to vector<1x200xf32>
    %slice3A_15 = vector.extract_strided_slice %get3A_10 {offsets = [1, 0], sizes = [1, 200], strides = [1, 1]} : vector<4x200xf32> to vector<1x200xf32>
    %slice3A_16 = vector.extract_strided_slice %get3A_10 {offsets = [2, 0], sizes = [1, 200], strides = [1, 1]} : vector<4x200xf32> to vector<1x200xf32>
    %slice3A_17 = vector.extract_strided_slice %get3A_10 {offsets = [3, 0], sizes = [1, 200], strides = [1, 1]} : vector<4x200xf32> to vector<1x200xf32>
    %min3A = vector.broadcast %slice3A_12 : vector<200x1xf32> to vector<200x200xf32>
    %min3A_18 = vector.broadcast %slice3A_16 : vector<1x200xf32> to vector<200x200xf32>
    %min3A_19 = arith.minimumf %min3A, %min3A_18 : vector<200x200xf32>
    %max3A = vector.broadcast %slice3A : vector<200x1xf32> to vector<200x200xf32>
    %max3A_20 = vector.broadcast %slice3A_14 : vector<1x200xf32> to vector<200x200xf32>
    %max3A_21 = arith.maximumf %max3A, %max3A_20 : vector<200x200xf32>
    %sub3A = arith.subf %min3A_19, %max3A_21 : vector<200x200xf32>
    %max3A_22 = arith.constant 0.000000e+00 : f32
    %max3A_23 = vector.broadcast %max3A_22 : f32 to vector<200x200xf32>
    %max3A_24 = arith.maximumf %sub3A, %max3A_23 : vector<200x200xf32>
    %min3A_25 = vector.broadcast %slice3A_13 : vector<200x1xf32> to vector<200x200xf32>
    %min3A_26 = vector.broadcast %slice3A_17 : vector<1x200xf32> to vector<200x200xf32>
    %min3A_27 = arith.minimumf %min3A_25, %min3A_26 : vector<200x200xf32>
    %max3A_28 = vector.broadcast %slice3A_11 : vector<200x1xf32> to vector<200x200xf32>
    %max3A_29 = vector.broadcast %slice3A_15 : vector<1x200xf32> to vector<200x200xf32>
    %max3A_30 = arith.maximumf %max3A_28, %max3A_29 : vector<200x200xf32>
    %sub3A_31 = arith.subf %min3A_27, %max3A_30 : vector<200x200xf32>
    %max3A_32 = arith.constant 0.000000e+00 : f32
    %max3A_33 = vector.broadcast %max3A_32 : f32 to vector<200x200xf32>
    %max3A_34 = arith.maximumf %sub3A_31, %max3A_33 : vector<200x200xf32>
    %mul3A = arith.mulf %max3A_24, %max3A_34 : vector<200x200xf32>
    %sub3A_35 = arith.subf %slice3A_12, %slice3A : vector<200x1xf32>
    %sub3A_36 = arith.subf %slice3A_13, %slice3A_11 : vector<200x1xf32>
    %mul3A_37 = arith.mulf %sub3A_35, %sub3A_36 : vector<200x1xf32>
    %sub3A_38 = arith.subf %slice3A_16, %slice3A_14 : vector<1x200xf32>
    %sub3A_39 = arith.subf %slice3A_17, %slice3A_15 : vector<1x200xf32>
    %mul3A_40 = arith.mulf %sub3A_38, %sub3A_39 : vector<1x200xf32>
    %add3A = vector.broadcast %mul3A_37 : vector<200x1xf32> to vector<200x200xf32>
    %add3A_41 = vector.broadcast %mul3A_40 : vector<1x200xf32> to vector<200x200xf32>
    %add3A_42 = arith.addf %add3A, %add3A_41 : vector<200x200xf32>
    %sub3A_43 = arith.subf %add3A_42, %mul3A : vector<200x200xf32>
    %max3A_44 = arith.constant 1.000000e-10 : f32
    %max3A_45 = vector.broadcast %max3A_44 : f32 to vector<200x200xf32>
    %max3A_46 = arith.maximumf %sub3A_43, %max3A_45 : vector<200x200xf32>
    %div3A = arith.divf %mul3A, %max3A_46 : vector<200x200xf32>
    %swap3A = arith.constant 0 : index
    %swap3A_47 = arith.constant 0 : index
    %swap3A_48 = arith.constant 0 : index
    %swap3A_49 = vector.load %arg6[%swap3A, %swap3A_47, %swap3A_48] : memref<200x20x200xf32, #tpu.memory_space<vmem>>, vector<200x1x200xf32>
    %swap3A_50 = vector.shape_cast %swap3A_49 : vector<200x1x200xf32> to vector<200x200xf32>
    %swap3A_51 = vector.shape_cast %div3A : vector<200x200xf32> to vector<200x1x200xf32>
    tpu.vector_store %arg6[%swap3A, %swap3A_47, %swap3A_48], %swap3A_51 {strides = array<i32>} : memref<200x20x200xf32, #tpu.memory_space<vmem>>, vector<200x1x200xf32>,
    %get3A_52 = arith.constant 0 : index
    %get3A_53 = arith.constant 1 : index
    %get3A_54 = arith.constant 0 : index
    %get3A_55 = arith.constant 0 : index
    %get3A_56 = vector.load %arg1[%get3A_52, %get3A_53, %get3A_54, %get3A_55] : memref<1x20x200x4xf32, #tpu.memory_space<vmem>>, vector<1x1x200x4xf32>
    %get3A_57 = vector.shape_cast %get3A_56 : vector<1x1x200x4xf32> to vector<200x4xf32>
    %get3A_58 = arith.constant 0 : index
    %get3A_59 = arith.constant 1 : index
    %get3A_60 = arith.constant 0 : index
    %get3A_61 = arith.constant 0 : index
    %get3A_62 = vector.load %arg2[%get3A_58, %get3A_59, %get3A_60, %get3A_61] : memref<1x20x4x200xf32, #tpu.memory_space<vmem>>, vector<1x1x4x200xf32>
    %get3A_63 = vector.shape_cast %get3A_62 : vector<1x1x4x200xf32> to vector<4x200xf32>
    %slice3A_64 = vector.extract_strided_slice %get3A_57 {offsets = [0, 0], sizes = [200, 1], strides = [1, 1]} : vector<200x4xf32> to vector<200x1xf32>
    %slice3A_65 = vector.extract_strided_slice %get3A_57 {offsets = [0, 1], sizes = [200, 1], strides = [1, 1]} : vector<200x4xf32> to vector<200x1xf32>
    %slice3A_66 = vector.extract_strided_slice %get3A_57 {offsets = [0, 2], sizes = [200, 1], strides = [1, 1]} : vector<200x4xf32> to vector<200x1xf32>
    %slice3A_67 = vector.extract_strided_slice %get3A_57 {offsets = [0, 3], sizes = [200, 1], strides = [1, 1]} : vector<200x4xf32> to vector<200x1xf32>
    %slice3A_68 = vector.extract_strided_slice %get3A_63 {offsets = [0, 0], sizes = [1, 200], strides = [1, 1]} : vector<4x200xf32> to vector<1x200xf32>
    %slice3A_69 = vector.extract_strided_slice %get3A_63 {offsets = [1, 0], sizes = [1, 200], strides = [1, 1]} : vector<4x200xf32> to vector<1x200xf32>
    %slice3A_70 = vector.extract_strided_slice %get3A_63 {offsets = [2, 0], sizes = [1, 200], strides = [1, 1]} : vector<4x200xf32> to vector<1x200xf32>
    %slice3A_71 = vector.extract_strided_slice %get3A_63 {offsets = [3, 0], sizes = [1, 200], strides = [1, 1]} : vector<4x200xf32> to vector<1x200xf32>
    %min3A_72 = vector.broadcast %slice3A_66 : vector<200x1xf32> to vector<200x200xf32>
    %min3A_73 = vector.broadcast %slice3A_70 : vector<1x200xf32> to vector<200x200xf32>
    %min3A_74 = arith.minimumf %min3A_72, %min3A_73 : vector<200x200xf32>
    %max3A_75 = vector.broadcast %slice3A_64 : vector<200x1xf32> to vector<200x200xf32>
    %max3A_76 = vector.broadcast %slice3A_68 : vector<1x200xf32> to vector<200x200xf32>
    %max3A_77 = arith.maximumf %max3A_75, %max3A_76 : vector<200x200xf32>
    %sub3A_78 = arith.subf %min3A_74, %max3A_77 : vector<200x200xf32>
    %max3A_79 = arith.constant 0.000000e+00 : f32
    %max3A_80 = vector.broadcast %max3A_79 : f32 to vector<200x200xf32>
    %max3A_81 = arith.maximumf %sub3A_78, %max3A_80 : vector<200x200xf32>
    %min3A_82 = vector.broadcast %slice3A_67 : vector<200x1xf32> to vector<200x200xf32>
    %min3A_83 = vector.broadcast %slice3A_71 : vector<1x200xf32> to vector<200x200xf32>
    %min3A_84 = arith.minimumf %min3A_82, %min3A_83 : vector<200x200xf32>
    %max3A_85 = vector.broadcast %slice3A_65 : vector<200x1xf32> to vector<200x200xf32>
    %max3A_86 = vector.broadcast %slice3A_69 : vector<1x200xf32> to vector<200x200xf32>
    %max3A_87 = arith.maximumf %max3A_85, %max3A_86 : vector<200x200xf32>
    %sub3A_88 = arith.subf %min3A_84, %max3A_87 : vector<200x200xf32>
    %max3A_89 = arith.constant 0.000000e+00 : f32
    %max3A_90 = vector.broadcast %max3A_89 : f32 to vector<200x200xf32>
    %max3A_91 = arith.maximumf %sub3A_88, %max3A_90 : vector<200x200xf32>
    %mul3A_92 = arith.mulf %max3A_81, %max3A_91 : vector<200x200xf32>
    %sub3A_93 = arith.subf %slice3A_66, %slice3A_64 : vector<200x1xf32>
    %sub3A_94 = arith.subf %slice3A_67, %slice3A_65 : vector<200x1xf32>
    %mul3A_95 = arith.mulf %sub3A_93, %sub3A_94 : vector<200x1xf32>
    %sub3A_96 = arith.subf %slice3A_70, %slice3A_68 : vector<1x200xf32>
    %sub3A_97 = arith.subf %slice3A_71, %slice3A_69 : vector<1x200xf32>
    %mul3A_98 = arith.mulf %sub3A_96, %sub3A_97 : vector<1x200xf32>
    %add3A_99 = vector.broadcast %mul3A_95 : vector<200x1xf32> to vector<200x200xf32>
    %add3A_100 = vector.broadcast %mul3A_98 : vector<1x200xf32> to vector<200x200xf32>
    %add3A_101 = arith.addf %add3A_99, %add3A_100 : vector<200x200xf32>
    %sub3A_102 = arith.subf %add3A_101, %mul3A_92 : vector<200x200xf32>
    %max3A_103 = arith.constant 1.000000e-10 : f32
    %max3A_104 = vector.broadcast %max3A_103 : f32 to vector<200x200xf32>
    %max3A_105 = arith.maximumf %sub3A_102, %max3A_104 : vector<200x200xf32>
    %div3A_106 = arith.divf %mul3A_92, %max3A_105 : vector<200x200xf32>
    %swap3A_107 = arith.constant 0 : index
    %swap3A_108 = arith.constant 1 : index
    %swap3A_109 = arith.constant 0 : index
    %swap3A_110 = vector.load %arg6[%swap3A_107, %swap3A_108, %swap3A_109] : memref<200x20x200xf32, #tpu.memory_space<vmem>>, vector<200x1x200xf32>
    %swap3A_111 = vector.shape_cast %swap3A_110 : vector<200x1x200xf32> to vector<200x200xf32>
    %swap3A_112 = vector.shape_cast %div3A_106 : vector<200x200xf32> to vector<200x1x200xf32>
    tpu.vector_store %arg6[%swap3A_107, %swap3A_108, %swap3A_109], %swap3A_112 {strides = array<i32>} : memref<200x20x200xf32, #tpu.memory_space<vmem>>, vector<200x1x200xf32>,
    %get3A_113 = arith.constant 0 : index
    %get3A_114 = arith.constant 2 : index
    %get3A_115 = arith.constant 0 : index
    %get3A_116 = arith.constant 0 : index
    %get3A_117 = vector.load %arg1[%get3A_113, %get3A_114, %get3A_115, %get3A_116] : memref<1x20x200x4xf32, #tpu.memory_space<vmem>>, vector<1x1x200x4xf32>
    %get3A_118 = vector.shape_cast %get3A_117 : vector<1x1x200x4xf32> to vector<200x4xf32>
    %get3A_119 = arith.constant 0 : index
    %get3A_120 = arith.constant 2 : index
    %get3A_121 = arith.constant 0 : index
    %get3A_122 = arith.constant 0 : index
    %get3A_123 = vector.load %arg2[%get3A_119, %get3A_120, %get3A_121, %get3A_122] : memref<1x20x4x200xf32, #tpu.memory_space<vmem>>, vector<1x1x4x200xf32>
    %get3A_124 = vector.shape_cast %get3A_123 : vector<1x1x4x200xf32> to vector<4x200xf32>
    %slice3A_125 = vector.extract_strided_slice %get3A_118 {offsets = [0, 0], sizes = [200, 1], strides = [1, 1]} : vector<200x4xf32> to vector<200x1xf32>
    %slice3A_126 = vector.extract_strided_slice %get3A_118 {offsets = [0, 1], sizes = [200, 1], strides = [1, 1]} : vector<200x4xf32> to vector<200x1xf32>
    %slice3A_127 = vector.extract_strided_slice %get3A_118 {offsets = [0, 2], sizes = [200, 1], strides = [1, 1]} : vector<200x4xf32> to vector<200x1xf32>
    %slice3A_128 = vector.extract_strided_slice %get3A_118 {offsets = [0, 3], sizes = [200, 1], strides = [1, 1]} : vector<200x4xf32> to vector<200x1xf32>
    %slice3A_129 = vector.extract_strided_slice %get3A_124 {offsets = [0, 0], sizes = [1, 200], strides = [1, 1]} : vector<4x200xf32> to vector<1x200xf32>
    %slice3A_130 = vector.extract_strided_slice %get3A_124 {offsets = [1, 0], sizes = [1, 200], strides = [1, 1]} : vector<4x200xf32> to vector<1x200xf32>
    %slice3A_131 = vector.extract_strided_slice %get3A_124 {offsets = [2, 0], sizes = [1, 200], strides = [1, 1]} : vector<4x200xf32> to vector<1x200xf32>
    %slice3A_132 = vector.extract_strided_slice %get3A_124 {offsets = [3, 0], sizes = [1, 200], strides = [1, 1]} : vector<4x200xf32> to vector<1x200xf32>
    %min3A_133 = vector.broadcast %slice3A_127 : vector<200x1xf32> to vector<200x200xf32>
    %min3A_134 = vector.broadcast %slice3A_131 : vector<1x200xf32> to vector<200x200xf32>
    %min3A_135 = arith.minimumf %min3A_133, %min3A_134 : vector<200x200xf32>
    %max3A_136 = vector.broadcast %slice3A_125 : vector<200x1xf32> to vector<200x200xf32>
    %max3A_137 = vector.broadcast %slice3A_129 : vector<1x200xf32> to vector<200x200xf32>
    %max3A_138 = arith.maximumf %max3A_136, %max3A_137 : vector<200x200xf32>
    %sub3A_139 = arith.subf %min3A_135, %max3A_138 : vector<200x200xf32>
    %max3A_140 = arith.constant 0.000000e+00 : f32
    %max3A_141 = vector.broadcast %max3A_140 : f32 to vector<200x200xf32>
    %max3A_142 = arith.maximumf %sub3A_139, %max3A_141 : vector<200x200xf32>
    %min3A_143 = vector.broadcast %slice3A_128 : vector<200x1xf32> to vector<200x200xf32>
    %min3A_144 = vector.broadcast %slice3A_132 : vector<1x200xf32> to vector<200x200xf32>
    %min3A_145 = arith.minimumf %min3A_143, %min3A_144 : vector<200x200xf32>
    %max3A_146 = vector.broadcast %slice3A_126 : vector<200x1xf32> to vector<200x200xf32>
    %max3A_147 = vector.broadcast %slice3A_130 : vector<1x200xf32> to vector<200x200xf32>
    %max3A_148 = arith.maximumf %max3A_146, %max3A_147 : vector<200x200xf32>
    %sub3A_149 = arith.subf %min3A_145, %max3A_148 : vector<200x200xf32>
    %max3A_150 = arith.constant 0.000000e+00 : f32
    %max3A_151 = vector.broadcast %max3A_150 : f32 to vector<200x200xf32>
    %max3A_152 = arith.maximumf %sub3A_149, %max3A_151 : vector<200x200xf32>
    %mul3A_153 = arith.mulf %max3A_142, %max3A_152 : vector<200x200xf32>
    %sub3A_154 = arith.subf %slice3A_127, %slice3A_125 : vector<200x1xf32>
    %sub3A_155 = arith.subf %slice3A_128, %slice3A_126 : vector<200x1xf32>
    %mul3A_156 = arith.mulf %sub3A_154, %sub3A_155 : vector<200x1xf32>
    %sub3A_157 = arith.subf %slice3A_131, %slice3A_129 : vector<1x200xf32>
    %sub3A_158 = arith.subf %slice3A_132, %slice3A_130 : vector<1x200xf32>
    %mul3A_159 = arith.mulf %sub3A_157, %sub3A_158 : vector<1x200xf32>
    %add3A_160 = vector.broadcast %mul3A_156 : vector<200x1xf32> to vector<200x200xf32>
    %add3A_161 = vector.broadcast %mul3A_159 : vector<1x200xf32> to vector<200x200xf32>
    %add3A_162 = arith.addf %add3A_160, %add3A_161 : vector<200x200xf32>
    %sub3A_163 = arith.subf %add3A_162, %mul3A_153 : vector<200x200xf32>
    %max3A_164 = arith.constant 1.000000e-10 : f32
    %max3A_165 = vector.broadcast %max3A_164 : f32 to vector<200x200xf32>
    %max3A_166 = arith.maximumf %sub3A_163, %max3A_165 : vector<200x200xf32>
    %div3A_167 = arith.divf %mul3A_153, %max3A_166 : vector<200x200xf32>
    %swap3A_168 = arith.constant 0 : index
    %swap3A_169 = arith.constant 2 : index
    %swap3A_170 = arith.constant 0 : index
    %swap3A_171 = vector.load %arg6[%swap3A_168, %swap3A_169, %swap3A_170] : memref<200x20x200xf32, #tpu.memory_space<vmem>>, vector<200x1x200xf32>
    %swap3A_172 = vector.shape_cast %swap3A_171 : vector<200x1x200xf32> to vector<200x200xf32>
    %swap3A_173 = vector.shape_cast %div3A_167 : vector<200x200xf32> to vector<200x1x200xf32>
    tpu.vector_store %arg6[%swap3A_168, %swap3A_169, %swap3A_170], %swap3A_173 {strides = array<i32>} : memref<200x20x200xf32, #tpu.memory_space<vmem>>, vector<200x1x200xf32>,
    %get3A_174 = arith.constant 0 : index
    %get3A_175 = arith.constant 3 : index
    %get3A_176 = arith.constant 0 : index
    %get3A_177 = arith.constant 0 : index
    %get3A_178 = vector.load %arg1[%get3A_174, %get3A_175, %get3A_176, %get3A_177] : memref<1x20x200x4xf32, #tpu.memory_space<vmem>>, vector<1x1x200x4xf32>
    %get3A_179 = vector.shape_cast %get3A_178 : vector<1x1x200x4xf32> to vector<200x4xf32>
    %get3A_180 = arith.constant 0 : index
    %get3A_181 = arith.constant 3 : index
    %get3A_182 = arith.constant 0 : index
    %get3A_183 = arith.constant 0 : index
    %get3A_184 = vector.load %arg2[%get3A_180, %get3A_181, %get3A_182, %get3A_183] : memref<1x20x4x200xf32, #tpu.memory_space<vmem>>, vector<1x1x4x200xf32>
    %get3A_185 = vector.shape_cast %get3A_184 : vector<1x1x4x200xf32> to vector<4x200xf32>
    %slice3A_186 = vector.extract_strided_slice %get3A_179 {offsets = [0, 0], sizes = [200, 1], strides = [1, 1]} : vector<200x4xf32> to vector<200x1xf32>
    %slice3A_187 = vector.extract_strided_slice %get3A_179 {offsets = [0, 1], sizes = [200, 1], strides = [1, 1]} : vector<200x4xf32> to vector<200x1xf32>
    %slice3A_188 = vector.extract_strided_slice %get3A_179 {offsets = [0, 2], sizes = [200, 1], strides = [1, 1]} : vector<200x4xf32> to vector<200x1xf32>
    %slice3A_189 = vector.extract_strided_slice %get3A_179 {offsets = [0, 3], sizes = [200, 1], strides = [1, 1]} : vector<200x4xf32> to vector<200x1xf32>
    %slice3A_190 = vector.extract_strided_slice %get3A_185 {offsets = [0, 0], sizes = [1, 200], strides = [1, 1]} : vector<4x200xf32> to vector<1x200xf32>
    %slice3A_191 = vector.extract_strided_slice %get3A_185 {offsets = [1, 0], sizes = [1, 200], strides = [1, 1]} : vector<4x200xf32> to vector<1x200xf32>
    %slice3A_192 = vector.extract_strided_slice %get3A_185 {offsets = [2, 0], sizes = [1, 200], strides = [1, 1]} : vector<4x200xf32> to vector<1x200xf32>
    %slice3A_193 = vector.extract_strided_slice %get3A_185 {offsets = [3, 0], sizes = [1, 200], strides = [1, 1]} : vector<4x200xf32> to vector<1x200xf32>
    %min3A_194 = vector.broadcast %slice3A_188 : vector<200x1xf32> to vector<200x200xf32>
    %min3A_195 = vector.broadcast %slice3A_192 : vector<1x200xf32> to vector<200x200xf32>
    %min3A_196 = arith.minimumf %min3A_194, %min3A_195 : vector<200x200xf32>
    %max3A_197 = vector.broadcast %slice3A_186 : vector<200x1xf32> to vector<200x200xf32>
    %max3A_198 = vector.broadcast %slice3A_190 : vector<1x200xf32> to vector<200x200xf32>
    %max3A_199 = arith.maximumf %max3A_197, %max3A_198 : vector<200x200xf32>
    %sub3A_200 = arith.subf %min3A_196, %max3A_199 : vector<200x200xf32>
    %max3A_201 = arith.constant 0.000000e+00 : f32
    %max3A_202 = vector.broadcast %max3A_201 : f32 to vector<200x200xf32>
    %max3A_203 = arith.maximumf %sub3A_200, %max3A_202 : vector<200x200xf32>
    %min3A_204 = vector.broadcast %slice3A_189 : vector<200x1xf32> to vector<200x200xf32>
    %min3A_205 = vector.broadcast %slice3A_193 : vector<1x200xf32> to vector<200x200xf32>
    %min3A_206 = arith.minimumf %min3A_204, %min3A_205 : vector<200x200xf32>
    %max3A_207 = vector.broadcast %slice3A_187 : vector<200x1xf32> to vector<200x200xf32>
    %max3A_208 = vector.broadcast %slice3A_191 : vector<1x200xf32> to vector<200x200xf32>
    %max3A_209 = arith.maximumf %max3A_207, %max3A_208 : vector<200x200xf32>
    %sub3A_210 = arith.subf %min3A_206, %max3A_209 : vector<200x200xf32>
    %max3A_211 = arith.constant 0.000000e+00 : f32
    %max3A_212 = vector.broadcast %max3A_211 : f32 to vector<200x200xf32>
    %max3A_213 = arith.maximumf %sub3A_210, %max3A_212 : vector<200x200xf32>
    %mul3A_214 = arith.mulf %max3A_203, %max3A_213 : vector<200x200xf32>
    %sub3A_215 = arith.subf %slice3A_188, %slice3A_186 : vector<200x1xf32>
    %sub3A_216 = arith.subf %slice3A_189, %slice3A_187 : vector<200x1xf32>
    %mul3A_217 = arith.mulf %sub3A_215, %sub3A_216 : vector<200x1xf32>
    %sub3A_218 = arith.subf %slice3A_192, %slice3A_190 : vector<1x200xf32>
    %sub3A_219 = arith.subf %slice3A_193, %slice3A_191 : vector<1x200xf32>
    %mul3A_220 = arith.mulf %sub3A_218, %sub3A_219 : vector<1x200xf32>
    %add3A_221 = vector.broadcast %mul3A_217 : vector<200x1xf32> to vector<200x200xf32>
    %add3A_222 = vector.broadcast %mul3A_220 : vector<1x200xf32> to vector<200x200xf32>
    %add3A_223 = arith.addf %add3A_221, %add3A_222 : vector<200x200xf32>
    %sub3A_224 = arith.subf %add3A_223, %mul3A_214 : vector<200x200xf32>
    %max3A_225 = arith.constant 1.000000e-10 : f32
    %max3A_226 = vector.broadcast %max3A_225 : f32 to vector<200x200xf32>
    %max3A_227 = arith.maximumf %sub3A_224, %max3A_226 : vector<200x200xf32>
    %div3A_228 = arith.divf %mul3A_214, %max3A_227 : vector<200x200xf32>
    %swap3A_229 = arith.constant 0 : index
    %swap3A_230 = arith.constant 3 : index
    %swap3A_231 = arith.constant 0 : index
    %swap3A_232 = vector.load %arg6[%swap3A_229, %swap3A_230, %swap3A_231] : memref<200x20x200xf32, #tpu.memory_space<vmem>>, vector<200x1x200xf32>
    %swap3A_233 = vector.shape_cast %swap3A_232 : vector<200x1x200xf32> to vector<200x200xf32>
    %swap3A_234 = vector.shape_cast %div3A_228 : vector<200x200xf32> to vector<200x1x200xf32>
    tpu.vector_store %arg6[%swap3A_229, %swap3A_230, %swap3A_231], %swap3A_234 {strides = array<i32>} : memref<200x20x200xf32, #tpu.memory_space<vmem>>, vector<200x1x200xf32>,
    %get3A_235 = arith.constant 0 : index
    %get3A_236 = arith.constant 4 : index
    %get3A_237 = arith.constant 0 : index
    %get3A_238 = arith.constant 0 : index
    %get3A_239 = vector.load %arg1[%get3A_235, %get3A_236, %get3A_237, %get3A_238] : memref<1x20x200x4xf32, #tpu.memory_space<vmem>>, vector<1x1x200x4xf32>
    %get3A_240 = vector.shape_cast %get3A_239 : vector<1x1x200x4xf32> to vector<200x4xf32>
    %get3A_241 = arith.constant 0 : index
    %get3A_242 = arith.constant 4 : index
    %get3A_243 = arith.constant 0 : index
    %get3A_244 = arith.constant 0 : index
    %get3A_245 = vector.load %arg2[%get3A_241, %get3A_242, %get3A_243, %get3A_244] : memref<1x20x4x200xf32, #tpu.memory_space<vmem>>, vector<1x1x4x200xf32>
    %get3A_246 = vector.shape_cast %get3A_245 : vector<1x1x4x200xf32> to vector<4x200xf32>
    %slice3A_247 = vector.extract_strided_slice %get3A_240 {offsets = [0, 0], sizes = [200, 1], strides = [1, 1]} : vector<200x4xf32> to vector<200x1xf32>
    %slice3A_248 = vector.extract_strided_slice %get3A_240 {offsets = [0, 1], sizes = [200, 1], strides = [1, 1]} : vector<200x4xf32> to vector<200x1xf32>
    %slice3A_249 = vector.extract_strided_slice %get3A_240 {offsets = [0, 2], sizes = [200, 1], strides = [1, 1]} : vector<200x4xf32> to vector<200x1xf32>
    %slice3A_250 = vector.extract_strided_slice %get3A_240 {offsets = [0, 3], sizes = [200, 1], strides = [1, 1]} : vector<200x4xf32> to vector<200x1xf32>
    %slice3A_251 = vector.extract_strided_slice %get3A_246 {offsets = [0, 0], sizes = [1, 200], strides = [1, 1]} : vector<4x200xf32> to vector<1x200xf32>
    %slice3A_252 = vector.extract_strided_slice %get3A_246 {offsets = [1, 0], sizes = [1, 200], strides = [1, 1]} : vector<4x200xf32> to vector<1x200xf32>
    %slice3A_253 = vector.extract_strided_slice %get3A_246 {offsets = [2, 0], sizes = [1, 200], strides = [1, 1]} : vector<4x200xf32> to vector<1x200xf32>
    %slice3A_254 = vector.extract_strided_slice %get3A_246 {offsets = [3, 0], sizes = [1, 200], strides = [1, 1]} : vector<4x200xf32> to vector<1x200xf32>
    %min3A_255 = vector.broadcast %slice3A_249 : vector<200x1xf32> to vector<200x200xf32>
    %min3A_256 = vector.broadcast %slice3A_253 : vector<1x200xf32> to vector<200x200xf32>
    %min3A_257 = arith.minimumf %min3A_255, %min3A_256 : vector<200x200xf32>
    %max3A_258 = vector.broadcast %slice3A_247 : vector<200x1xf32> to vector<200x200xf32>
    %max3A_259 = vector.broadcast %slice3A_251 : vector<1x200xf32> to vector<200x200xf32>
    %max3A_260 = arith.maximumf %max3A_258, %max3A_259 : vector<200x200xf32>
    %sub3A_261 = arith.subf %min3A_257, %max3A_260 : vector<200x200xf32>
    %max3A_262 = arith.constant 0.000000e+00 : f32
    %max3A_263 = vector.broadcast %max3A_262 : f32 to vector<200x200xf32>
    %max3A_264 = arith.maximumf %sub3A_261, %max3A_263 : vector<200x200xf32>
    %min3A_265 = vector.broadcast %slice3A_250 : vector<200x1xf32> to vector<200x200xf32>
    %min3A_266 = vector.broadcast %slice3A_254 : vector<1x200xf32> to vector<200x200xf32>
    %min3A_267 = arith.minimumf %min3A_265, %min3A_266 : vector<200x200xf32>
    %max3A_268 = vector.broadcast %slice3A_248 : vector<200x1xf32> to vector<200x200xf32>
    %max3A_269 = vector.broadcast %slice3A_252 : vector<1x200xf32> to vector<200x200xf32>
    %max3A_270 = arith.maximumf %max3A_268, %max3A_269 : vector<200x200xf32>
    %sub3A_271 = arith.subf %min3A_267, %max3A_270 : vector<200x200xf32>
    %max3A_272 = arith.constant 0.000000e+00 : f32
    %max3A_273 = vector.broadcast %max3A_272 : f32 to vector<200x200xf32>
    %max3A_274 = arith.maximumf %sub3A_271, %max3A_273 : vector<200x200xf32>
    %mul3A_275 = arith.mulf %max3A_264, %max3A_274 : vector<200x200xf32>
    %sub3A_276 = arith.subf %slice3A_249, %slice3A_247 : vector<200x1xf32>
    %sub3A_277 = arith.subf %slice3A_250, %slice3A_248 : vector<200x1xf32>
    %mul3A_278 = arith.mulf %sub3A_276, %sub3A_277 : vector<200x1xf32>
    %sub3A_279 = arith.subf %slice3A_253, %slice3A_251 : vector<1x200xf32>
    %sub3A_280 = arith.subf %slice3A_254, %slice3A_252 : vector<1x200xf32>
    %mul3A_281 = arith.mulf %sub3A_279, %sub3A_280 : vector<1x200xf32>
    %add3A_282 = vector.broadcast %mul3A_278 : vector<200x1xf32> to vector<200x200xf32>
    %add3A_283 = vector.broadcast %mul3A_281 : vector<1x200xf32> to vector<200x200xf32>
    %add3A_284 = arith.addf %add3A_282, %add3A_283 : vector<200x200xf32>
    %sub3A_285 = arith.subf %add3A_284, %mul3A_275 : vector<200x200xf32>
    %max3A_286 = arith.constant 1.000000e-10 : f32
    %max3A_287 = vector.broadcast %max3A_286 : f32 to vector<200x200xf32>
    %max3A_288 = arith.maximumf %sub3A_285, %max3A_287 : vector<200x200xf32>
    %div3A_289 = arith.divf %mul3A_275, %max3A_288 : vector<200x200xf32>
    %swap3A_290 = arith.constant 0 : index
    %swap3A_291 = arith.constant 4 : index
    %swap3A_292 = arith.constant 0 : index
    %swap3A_293 = vector.load %arg6[%swap3A_290, %swap3A_291, %swap3A_292] : memref<200x20x200xf32, #tpu.memory_space<vmem>>, vector<200x1x200xf32>
    %swap3A_294 = vector.shape_cast %swap3A_293 : vector<200x1x200xf32> to vector<200x200xf32>
    %swap3A_295 = vector.shape_cast %div3A_289 : vector<200x200xf32> to vector<200x1x200xf32>
    tpu.vector_store %arg6[%swap3A_290, %swap3A_291, %swap3A_292], %swap3A_295 {strides = array<i32>} : memref<200x20x200xf32, #tpu.memory_space<vmem>>, vector<200x1x200xf32>,
    %get3A_296 = arith.constant 0 : index
    %get3A_297 = arith.constant 5 : index
    %get3A_298 = arith.constant 0 : index
    %get3A_299 = arith.constant 0 : index
    %get3A_300 = vector.load %arg1[%get3A_296, %get3A_297, %get3A_298, %get3A_299] : memref<1x20x200x4xf32, #tpu.memory_space<vmem>>, vector<1x1x200x4xf32>
    %get3A_301 = vector.shape_cast %get3A_300 : vector<1x1x200x4xf32> to vector<200x4xf32>
    %get3A_302 = arith.constant 0 : index
    %get3A_303 = arith.constant 5 : index
    %get3A_304 = arith.constant 0 : index
    %get3A_305 = arith.constant 0 : index
    %get3A_306 = vector.load %arg2[%get3A_302, %get3A_303, %get3A_304, %get3A_305] : memref<1x20x4x200xf32, #tpu.memory_space<vmem>>, vector<1x1x4x200xf32>
    %get3A_307 = vector.shape_cast %get3A_306 : vector<1x1x4x200xf32> to vector<4x200xf32>
    %slice3A_308 = vector.extract_strided_slice %get3A_301 {offsets = [0, 0], sizes = [200, 1], strides = [1, 1]} : vector<200x4xf32> to vector<200x1xf32>
    %slice3A_309 = vector.extract_strided_slice %get3A_301 {offsets = [0, 1], sizes = [200, 1], strides = [1, 1]} : vector<200x4xf32> to vector<200x1xf32>
    %slice3A_310 = vector.extract_strided_slice %get3A_301 {offsets = [0, 2], sizes = [200, 1], strides = [1, 1]} : vector<200x4xf32> to vector<200x1xf32>
    %slice3A_311 = vector.extract_strided_slice %get3A_301 {offsets = [0, 3], sizes = [200, 1], strides = [1, 1]} : vector<200x4xf32> to vector<200x1xf32>
    %slice3A_312 = vector.extract_strided_slice %get3A_307 {offsets = [0, 0], sizes = [1, 200], strides = [1, 1]} : vector<4x200xf32> to vector<1x200xf32>
    %slice3A_313 = vector.extract_strided_slice %get3A_307 {offsets = [1, 0], sizes = [1, 200], strides = [1, 1]} : vector<4x200xf32> to vector<1x200xf32>
    %slice3A_314 = vector.extract_strided_slice %get3A_307 {offsets = [2, 0], sizes = [1, 200], strides = [1, 1]} : vector<4x200xf32> to vector<1x200xf32>
    %slice3A_315 = vector.extract_strided_slice %get3A_307 {offsets = [3, 0], sizes = [1, 200], strides = [1, 1]} : vector<4x200xf32> to vector<1x200xf32>
    %min3A_316 = vector.broadcast %slice3A_310 : vector<200x1xf32> to vector<200x200xf32>
    %min3A_317 = vector.broadcast %slice3A_314 : vector<1x200xf32> to vector<200x200xf32>
    %min3A_318 = arith.minimumf %min3A_316, %min3A_317 : vector<200x200xf32>
    %max3A_319 = vector.broadcast %slice3A_308 : vector<200x1xf32> to vector<200x200xf32>
    %max3A_320 = vector.broadcast %slice3A_312 : vector<1x200xf32> to vector<200x200xf32>
    %max3A_321 = arith.maximumf %max3A_319, %max3A_320 : vector<200x200xf32>
    %sub3A_322 = arith.subf %min3A_318, %max3A_321 : vector<200x200xf32>
    %max3A_323 = arith.constant 0.000000e+00 : f32
    %max3A_324 = vector.broadcast %max3A_323 : f32 to vector<200x200xf32>
    %max3A_325 = arith.maximumf %sub3A_322, %max3A_324 : vector<200x200xf32>
    %min3A_326 = vector.broadcast %slice3A_311 : vector<200x1xf32> to vector<200x200xf32>
    %min3A_327 = vector.broadcast %slice3A_315 : vector<1x200xf32> to vector<200x200xf32>
    %min3A_328 = arith.minimumf %min3A_326, %min3A_327 : vector<200x200xf32>
    %max3A_329 = vector.broadcast %slice3A_309 : vector<200x1xf32> to vector<200x200xf32>
    %max3A_330 = vector.broadcast %slice3A_313 : vector<1x200xf32> to vector<200x200xf32>
    %max3A_331 = arith.maximumf %max3A_329, %max3A_330 : vector<200x200xf32>
    %sub3A_332 = arith.subf %min3A_328, %max3A_331 : vector<200x200xf32>
    %max3A_333 = arith.constant 0.000000e+00 : f32
    %max3A_334 = vector.broadcast %max3A_333 : f32 to vector<200x200xf32>
    %max3A_335 = arith.maximumf %sub3A_332, %max3A_334 : vector<200x200xf32>
    %mul3A_336 = arith.mulf %max3A_325, %max3A_335 : vector<200x200xf32>
    %sub3A_337 = arith.subf %slice3A_310, %slice3A_308 : vector<200x1xf32>
    %sub3A_338 = arith.subf %slice3A_311, %slice3A_309 : vector<200x1xf32>
    %mul3A_339 = arith.mulf %sub3A_337, %sub3A_338 : vector<200x1xf32>
    %sub3A_340 = arith.subf %slice3A_314, %slice3A_312 : vector<1x200xf32>
    %sub3A_341 = arith.subf %slice3A_315, %slice3A_313 : vector<1x200xf32>
    %mul3A_342 = arith.mulf %sub3A_340, %sub3A_341 : vector<1x200xf32>
    %add3A_343 = vector.broadcast %mul3A_339 : vector<200x1xf32> to vector<200x200xf32>
    %add3A_344 = vector.broadcast %mul3A_342 : vector<1x200xf32> to vector<200x200xf32>
    %add3A_345 = arith.addf %add3A_343, %add3A_344 : vector<200x200xf32>
    %sub3A_346 = arith.subf %add3A_345, %mul3A_336 : vector<200x200xf32>
    %max3A_347 = arith.constant 1.000000e-10 : f32
    %max3A_348 = vector.broadcast %max3A_347 : f32 to vector<200x200xf32>
    %max3A_349 = arith.maximumf %sub3A_346, %max3A_348 : vector<200x200xf32>
    %div3A_350 = arith.divf %mul3A_336, %max3A_349 : vector<200x200xf32>
    %swap3A_351 = arith.constant 0 : index
    %swap3A_352 = arith.constant 5 : index
    %swap3A_353 = arith.constant 0 : index
    %swap3A_354 = vector.load %arg6[%swap3A_351, %swap3A_352, %swap3A_353] : memref<200x20x200xf32, #tpu.memory_space<vmem>>, vector<200x1x200xf32>
    %swap3A_355 = vector.shape_cast %swap3A_354 : vector<200x1x200xf32> to vector<200x200xf32>
    %swap3A_356 = vector.shape_cast %div3A_350 : vector<200x200xf32> to vector<200x1x200xf32>
    tpu.vector_store %arg6[%swap3A_351, %swap3A_352, %swap3A_353], %swap3A_356 {strides = array<i32>} : memref<200x20x200xf32, #tpu.memory_space<vmem>>, vector<200x1x200xf32>,
    %get3A_357 = arith.constant 0 : index
    %get3A_358 = arith.constant 6 : index
    %get3A_359 = arith.constant 0 : index
    %get3A_360 = arith.constant 0 : index
    %get3A_361 = vector.load %arg1[%get3A_357, %get3A_358, %get3A_359, %get3A_360] : memref<1x20x200x4xf32, #tpu.memory_space<vmem>>, vector<1x1x200x4xf32>
    %get3A_362 = vector.shape_cast %get3A_361 : vector<1x1x200x4xf32> to vector<200x4xf32>
    %get3A_363 = arith.constant 0 : index
    %get3A_364 = arith.constant 6 : index
    %get3A_365 = arith.constant 0 : index
    %get3A_366 = arith.constant 0 : index
    %get3A_367 = vector.load %arg2[%get3A_363, %get3A_364, %get3A_365, %get3A_366] : memref<1x20x4x200xf32, #tpu.memory_space<vmem>>, vector<1x1x4x200xf32>
    %get3A_368 = vector.shape_cast %get3A_367 : vector<1x1x4x200xf32> to vector<4x200xf32>
    %slice3A_369 = vector.extract_strided_slice %get3A_362 {offsets = [0, 0], sizes = [200, 1], strides = [1, 1]} : vector<200x4xf32> to vector<200x1xf32>
    %slice3A_370 = vector.extract_strided_slice %get3A_362 {offsets = [0, 1], sizes = [200, 1], strides = [1, 1]} : vector<200x4xf32> to vector<200x1xf32>
    %slice3A_371 = vector.extract_strided_slice %get3A_362 {offsets = [0, 2], sizes = [200, 1], strides = [1, 1]} : vector<200x4xf32> to vector<200x1xf32>
    %slice3A_372 = vector.extract_strided_slice %get3A_362 {offsets = [0, 3], sizes = [200, 1], strides = [1, 1]} : vector<200x4xf32> to vector<200x1xf32>
    %slice3A_373 = vector.extract_strided_slice %get3A_368 {offsets = [0, 0], sizes = [1, 200], strides = [1, 1]} : vector<4x200xf32> to vector<1x200xf32>
    %slice3A_374 = vector.extract_strided_slice %get3A_368 {offsets = [1, 0], sizes = [1, 200], strides = [1, 1]} : vector<4x200xf32> to vector<1x200xf32>
    %slice3A_375 = vector.extract_strided_slice %get3A_368 {offsets = [2, 0], sizes = [1, 200], strides = [1, 1]} : vector<4x200xf32> to vector<1x200xf32>
    %slice3A_376 = vector.extract_strided_slice %get3A_368 {offsets = [3, 0], sizes = [1, 200], strides = [1, 1]} : vector<4x200xf32> to vector<1x200xf32>
    %min3A_377 = vector.broadcast %slice3A_371 : vector<200x1xf32> to vector<200x200xf32>
    %min3A_378 = vector.broadcast %slice3A_375 : vector<1x200xf32> to vector<200x200xf32>
    %min3A_379 = arith.minimumf %min3A_377, %min3A_378 : vector<200x200xf32>
    %max3A_380 = vector.broadcast %slice3A_369 : vector<200x1xf32> to vector<200x200xf32>
    %max3A_381 = vector.broadcast %slice3A_373 : vector<1x200xf32> to vector<200x200xf32>
    %max3A_382 = arith.maximumf %max3A_380, %max3A_381 : vector<200x200xf32>
    %sub3A_383 = arith.subf %min3A_379, %max3A_382 : vector<200x200xf32>
    %max3A_384 = arith.constant 0.000000e+00 : f32
    %max3A_385 = vector.broadcast %max3A_384 : f32 to vector<200x200xf32>
    %max3A_386 = arith.maximumf %sub3A_383, %max3A_385 : vector<200x200xf32>
    %min3A_387 = vector.broadcast %slice3A_372 : vector<200x1xf32> to vector<200x200xf32>
    %min3A_388 = vector.broadcast %slice3A_376 : vector<1x200xf32> to vector<200x200xf32>
    %min3A_389 = arith.minimumf %min3A_387, %min3A_388 : vector<200x200xf32>
    %max3A_390 = vector.broadcast %slice3A_370 : vector<200x1xf32> to vector<200x200xf32>
    %max3A_391 = vector.broadcast %slice3A_374 : vector<1x200xf32> to vector<200x200xf32>
    %max3A_392 = arith.maximumf %max3A_390, %max3A_391 : vector<200x200xf32>
    %sub3A_393 = arith.subf %min3A_389, %max3A_392 : vector<200x200xf32>
    %max3A_394 = arith.constant 0.000000e+00 : f32
    %max3A_395 = vector.broadcast %max3A_394 : f32 to vector<200x200xf32>
    %max3A_396 = arith.maximumf %sub3A_393, %max3A_395 : vector<200x200xf32>
    %mul3A_397 = arith.mulf %max3A_386, %max3A_396 : vector<200x200xf32>
    %sub3A_398 = arith.subf %slice3A_371, %slice3A_369 : vector<200x1xf32>
    %sub3A_399 = arith.subf %slice3A_372, %slice3A_370 : vector<200x1xf32>
    %mul3A_400 = arith.mulf %sub3A_398, %sub3A_399 : vector<200x1xf32>
    %sub3A_401 = arith.subf %slice3A_375, %slice3A_373 : vector<1x200xf32>
    %sub3A_402 = arith.subf %slice3A_376, %slice3A_374 : vector<1x200xf32>
    %mul3A_403 = arith.mulf %sub3A_401, %sub3A_402 : vector<1x200xf32>
    %add3A_404 = vector.broadcast %mul3A_400 : vector<200x1xf32> to vector<200x200xf32>
    %add3A_405 = vector.broadcast %mul3A_403 : vector<1x200xf32> to vector<200x200xf32>
    %add3A_406 = arith.addf %add3A_404, %add3A_405 : vector<200x200xf32>
    %sub3A_407 = arith.subf %add3A_406, %mul3A_397 : vector<200x200xf32>
    %max3A_408 = arith.constant 1.000000e-10 : f32
    %max3A_409 = vector.broadcast %max3A_408 : f32 to vector<200x200xf32>
    %max3A_410 = arith.maximumf %sub3A_407, %max3A_409 : vector<200x200xf32>
    %div3A_411 = arith.divf %mul3A_397, %max3A_410 : vector<200x200xf32>
    %swap3A_412 = arith.constant 0 : index
    %swap3A_413 = arith.constant 6 : index
    %swap3A_414 = arith.constant 0 : index
    %swap3A_415 = vector.load %arg6[%swap3A_412, %swap3A_413, %swap3A_414] : memref<200x20x200xf32, #tpu.memory_space<vmem>>, vector<200x1x200xf32>
    %swap3A_416 = vector.shape_cast %swap3A_415 : vector<200x1x200xf32> to vector<200x200xf32>
    %swap3A_417 = vector.shape_cast %div3A_411 : vector<200x200xf32> to vector<200x1x200xf32>
    tpu.vector_store %arg6[%swap3A_412, %swap3A_413, %swap3A_414], %swap3A_417 {strides = array<i32>} : memref<200x20x200xf32, #tpu.memory_space<vmem>>, vector<200x1x200xf32>,
    %get3A_418 = arith.constant 0 : index
    %get3A_419 = arith.constant 7 : index
    %get3A_420 = arith.constant 0 : index
    %get3A_421 = arith.constant 0 : index
    %get3A_422 = vector.load %arg1[%get3A_418, %get3A_419, %get3A_420, %get3A_421] : memref<1x20x200x4xf32, #tpu.memory_space<vmem>>, vector<1x1x200x4xf32>
    %get3A_423 = vector.shape_cast %get3A_422 : vector<1x1x200x4xf32> to vector<200x4xf32>
    %get3A_424 = arith.constant 0 : index
    %get3A_425 = arith.constant 7 : index
    %get3A_426 = arith.constant 0 : index
    %get3A_427 = arith.constant 0 : index
    %get3A_428 = vector.load %arg2[%get3A_424, %get3A_425, %get3A_426, %get3A_427] : memref<1x20x4x200xf32, #tpu.memory_space<vmem>>, vector<1x1x4x200xf32>
    %get3A_429 = vector.shape_cast %get3A_428 : vector<1x1x4x200xf32> to vector<4x200xf32>
    %slice3A_430 = vector.extract_strided_slice %get3A_423 {offsets = [0, 0], sizes = [200, 1], strides = [1, 1]} : vector<200x4xf32> to vector<200x1xf32>
    %slice3A_431 = vector.extract_strided_slice %get3A_423 {offsets = [0, 1], sizes = [200, 1], strides = [1, 1]} : vector<200x4xf32> to vector<200x1xf32>
    %slice3A_432 = vector.extract_strided_slice %get3A_423 {offsets = [0, 2], sizes = [200, 1], strides = [1, 1]} : vector<200x4xf32> to vector<200x1xf32>
    %slice3A_433 = vector.extract_strided_slice %get3A_423 {offsets = [0, 3], sizes = [200, 1], strides = [1, 1]} : vector<200x4xf32> to vector<200x1xf32>
    %slice3A_434 = vector.extract_strided_slice %get3A_429 {offsets = [0, 0], sizes = [1, 200], strides = [1, 1]} : vector<4x200xf32> to vector<1x200xf32>
    %slice3A_435 = vector.extract_strided_slice %get3A_429 {offsets = [1, 0], sizes = [1, 200], strides = [1, 1]} : vector<4x200xf32> to vector<1x200xf32>
    %slice3A_436 = vector.extract_strided_slice %get3A_429 {offsets = [2, 0], sizes = [1, 200], strides = [1, 1]} : vector<4x200xf32> to vector<1x200xf32>
    %slice3A_437 = vector.extract_strided_slice %get3A_429 {offsets = [3, 0], sizes = [1, 200], strides = [1, 1]} : vector<4x200xf32> to vector<1x200xf32>
    %min3A_438 = vector.broadcast %slice3A_432 : vector<200x1xf32> to vector<200x200xf32>
    %min3A_439 = vector.broadcast %slice3A_436 : vector<1x200xf32> to vector<200x200xf32>
    %min3A_440 = arith.minimumf %min3A_438, %min3A_439 : vector<200x200xf32>
    %max3A_441 = vector.broadcast %slice3A_430 : vector<200x1xf32> to vector<200x200xf32>
    %max3A_442 = vector.broadcast %slice3A_434 : vector<1x200xf32> to vector<200x200xf32>
    %max3A_443 = arith.maximumf %max3A_441, %max3A_442 : vector<200x200xf32>
    %sub3A_444 = arith.subf %min3A_440, %max3A_443 : vector<200x200xf32>
    %max3A_445 = arith.constant 0.000000e+00 : f32
    %max3A_446 = vector.broadcast %max3A_445 : f32 to vector<200x200xf32>
    %max3A_447 = arith.maximumf %sub3A_444, %max3A_446 : vector<200x200xf32>
    %min3A_448 = vector.broadcast %slice3A_433 : vector<200x1xf32> to vector<200x200xf32>
    %min3A_449 = vector.broadcast %slice3A_437 : vector<1x200xf32> to vector<200x200xf32>
    %min3A_450 = arith.minimumf %min3A_448, %min3A_449 : vector<200x200xf32>
    %max3A_451 = vector.broadcast %slice3A_431 : vector<200x1xf32> to vector<200x200xf32>
    %max3A_452 = vector.broadcast %slice3A_435 : vector<1x200xf32> to vector<200x200xf32>
    %max3A_453 = arith.maximumf %max3A_451, %max3A_452 : vector<200x200xf32>
    %sub3A_454 = arith.subf %min3A_450, %max3A_453 : vector<200x200xf32>
    %max3A_455 = arith.constant 0.000000e+00 : f32
    %max3A_456 = vector.broadcast %max3A_455 : f32 to vector<200x200xf32>
    %max3A_457 = arith.maximumf %sub3A_454, %max3A_456 : vector<200x200xf32>
    %mul3A_458 = arith.mulf %max3A_447, %max3A_457 : vector<200x200xf32>
    %sub3A_459 = arith.subf %slice3A_432, %slice3A_430 : vector<200x1xf32>
    %sub3A_460 = arith.subf %slice3A_433, %slice3A_431 : vector<200x1xf32>
    %mul3A_461 = arith.mulf %sub3A_459, %sub3A_460 : vector<200x1xf32>
    %sub3A_462 = arith.subf %slice3A_436, %slice3A_434 : vector<1x200xf32>
    %sub3A_463 = arith.subf %slice3A_437, %slice3A_435 : vector<1x200xf32>
    %mul3A_464 = arith.mulf %sub3A_462, %sub3A_463 : vector<1x200xf32>
    %add3A_465 = vector.broadcast %mul3A_461 : vector<200x1xf32> to vector<200x200xf32>
    %add3A_466 = vector.broadcast %mul3A_464 : vector<1x200xf32> to vector<200x200xf32>
    %add3A_467 = arith.addf %add3A_465, %add3A_466 : vector<200x200xf32>
    %sub3A_468 = arith.subf %add3A_467, %mul3A_458 : vector<200x200xf32>
    %max3A_469 = arith.constant 1.000000e-10 : f32
    %max3A_470 = vector.broadcast %max3A_469 : f32 to vector<200x200xf32>
    %max3A_471 = arith.maximumf %sub3A_468, %max3A_470 : vector<200x200xf32>
    %div3A_472 = arith.divf %mul3A_458, %max3A_471 : vector<200x200xf32>
    %swap3A_473 = arith.constant 0 : index
    %swap3A_474 = arith.constant 7 : index
    %swap3A_475 = arith.constant 0 : index
    %swap3A_476 = vector.load %arg6[%swap3A_473, %swap3A_474, %swap3A_475] : memref<200x20x200xf32, #tpu.memory_space<vmem>>, vector<200x1x200xf32>
    %swap3A_477 = vector.shape_cast %swap3A_476 : vector<200x1x200xf32> to vector<200x200xf32>
    %swap3A_478 = vector.shape_cast %div3A_472 : vector<200x200xf32> to vector<200x1x200xf32>
    tpu.vector_store %arg6[%swap3A_473, %swap3A_474, %swap3A_475], %swap3A_478 {strides = array<i32>} : memref<200x20x200xf32, #tpu.memory_space<vmem>>, vector<200x1x200xf32>,
    %get3A_479 = arith.constant 0 : index
    %get3A_480 = arith.constant 8 : index
    %get3A_481 = arith.constant 0 : index
    %get3A_482 = arith.constant 0 : index
    %get3A_483 = vector.load %arg1[%get3A_479, %get3A_480, %get3A_481, %get3A_482] : memref<1x20x200x4xf32, #tpu.memory_space<vmem>>, vector<1x1x200x4xf32>
    %get3A_484 = vector.shape_cast %get3A_483 : vector<1x1x200x4xf32> to vector<200x4xf32>
    %get3A_485 = arith.constant 0 : index
    %get3A_486 = arith.constant 8 : index
    %get3A_487 = arith.constant 0 : index
    %get3A_488 = arith.constant 0 : index
    %get3A_489 = vector.load %arg2[%get3A_485, %get3A_486, %get3A_487, %get3A_488] : memref<1x20x4x200xf32, #tpu.memory_space<vmem>>, vector<1x1x4x200xf32>
    %get3A_490 = vector.shape_cast %get3A_489 : vector<1x1x4x200xf32> to vector<4x200xf32>
    %slice3A_491 = vector.extract_strided_slice %get3A_484 {offsets = [0, 0], sizes = [200, 1], strides = [1, 1]} : vector<200x4xf32> to vector<200x1xf32>
    %slice3A_492 = vector.extract_strided_slice %get3A_484 {offsets = [0, 1], sizes = [200, 1], strides = [1, 1]} : vector<200x4xf32> to vector<200x1xf32>
    %slice3A_493 = vector.extract_strided_slice %get3A_484 {offsets = [0, 2], sizes = [200, 1], strides = [1, 1]} : vector<200x4xf32> to vector<200x1xf32>
    %slice3A_494 = vector.extract_strided_slice %get3A_484 {offsets = [0, 3], sizes = [200, 1], strides = [1, 1]} : vector<200x4xf32> to vector<200x1xf32>
    %slice3A_495 = vector.extract_strided_slice %get3A_490 {offsets = [0, 0], sizes = [1, 200], strides = [1, 1]} : vector<4x200xf32> to vector<1x200xf32>
    %slice3A_496 = vector.extract_strided_slice %get3A_490 {offsets = [1, 0], sizes = [1, 200], strides = [1, 1]} : vector<4x200xf32> to vector<1x200xf32>
    %slice3A_497 = vector.extract_strided_slice %get3A_490 {offsets = [2, 0], sizes = [1, 200], strides = [1, 1]} : vector<4x200xf32> to vector<1x200xf32>
    %slice3A_498 = vector.extract_strided_slice %get3A_490 {offsets = [3, 0], sizes = [1, 200], strides = [1, 1]} : vector<4x200xf32> to vector<1x200xf32>
    %min3A_499 = vector.broadcast %slice3A_493 : vector<200x1xf32> to vector<200x200xf32>
    %min3A_500 = vector.broadcast %slice3A_497 : vector<1x200xf32> to vector<200x200xf32>
    %min3A_501 = arith.minimumf %min3A_499, %min3A_500 : vector<200x200xf32>
    %max3A_502 = vector.broadcast %slice3A_491 : vector<200x1xf32> to vector<200x200xf32>
    %max3A_503 = vector.broadcast %slice3A_495 : vector<1x200xf32> to vector<200x200xf32>
    %max3A_504 = arith.maximumf %max3A_502, %max3A_503 : vector<200x200xf32>
    %sub3A_505 = arith.subf %min3A_501, %max3A_504 : vector<200x200xf32>
    %max3A_506 = arith.constant 0.000000e+00 : f32
    %max3A_507 = vector.broadcast %max3A_506 : f32 to vector<200x200xf32>
    %max3A_508 = arith.maximumf %sub3A_505, %max3A_507 : vector<200x200xf32>
    %min3A_509 = vector.broadcast %slice3A_494 : vector<200x1xf32> to vector<200x200xf32>
    %min3A_510 = vector.broadcast %slice3A_498 : vector<1x200xf32> to vector<200x200xf32>
    %min3A_511 = arith.minimumf %min3A_509, %min3A_510 : vector<200x200xf32>
    %max3A_512 = vector.broadcast %slice3A_492 : vector<200x1xf32> to vector<200x200xf32>
    %max3A_513 = vector.broadcast %slice3A_496 : vector<1x200xf32> to vector<200x200xf32>
    %max3A_514 = arith.maximumf %max3A_512, %max3A_513 : vector<200x200xf32>
    %sub3A_515 = arith.subf %min3A_511, %max3A_514 : vector<200x200xf32>
    %max3A_516 = arith.constant 0.000000e+00 : f32
    %max3A_517 = vector.broadcast %max3A_516 : f32 to vector<200x200xf32>
    %max3A_518 = arith.maximumf %sub3A_515, %max3A_517 : vector<200x200xf32>
    %mul3A_519 = arith.mulf %max3A_508, %max3A_518 : vector<200x200xf32>
    %sub3A_520 = arith.subf %slice3A_493, %slice3A_491 : vector<200x1xf32>
    %sub3A_521 = arith.subf %slice3A_494, %slice3A_492 : vector<200x1xf32>
    %mul3A_522 = arith.mulf %sub3A_520, %sub3A_521 : vector<200x1xf32>
    %sub3A_523 = arith.subf %slice3A_497, %slice3A_495 : vector<1x200xf32>
    %sub3A_524 = arith.subf %slice3A_498, %slice3A_496 : vector<1x200xf32>
    %mul3A_525 = arith.mulf %sub3A_523, %sub3A_524 : vector<1x200xf32>
    %add3A_526 = vector.broadcast %mul3A_522 : vector<200x1xf32> to vector<200x200xf32>
    %add3A_527 = vector.broadcast %mul3A_525 : vector<1x200xf32> to vector<200x200xf32>
    %add3A_528 = arith.addf %add3A_526, %add3A_527 : vector<200x200xf32>
    %sub3A_529 = arith.subf %add3A_528, %mul3A_519 : vector<200x200xf32>
    %max3A_530 = arith.constant 1.000000e-10 : f32
    %max3A_531 = vector.broadcast %max3A_530 : f32 to vector<200x200xf32>
    %max3A_532 = arith.maximumf %sub3A_529, %max3A_531 : vector<200x200xf32>
    %div3A_533 = arith.divf %mul3A_519, %max3A_532 : vector<200x200xf32>
    %swap3A_534 = arith.constant 0 : index
    %swap3A_535 = arith.constant 8 : index
    %swap3A_536 = arith.constant 0 : index
    %swap3A_537 = vector.load %arg6[%swap3A_534, %swap3A_535, %swap3A_536] : memref<200x20x200xf32, #tpu.memory_space<vmem>>, vector<200x1x200xf32>
    %swap3A_538 = vector.shape_cast %swap3A_537 : vector<200x1x200xf32> to vector<200x200xf32>
    %swap3A_539 = vector.shape_cast %div3A_533 : vector<200x200xf32> to vector<200x1x200xf32>
    tpu.vector_store %arg6[%swap3A_534, %swap3A_535, %swap3A_536], %swap3A_539 {strides = array<i32>} : memref<200x20x200xf32, #tpu.memory_space<vmem>>, vector<200x1x200xf32>,
    %get3A_540 = arith.constant 0 : index
    %get3A_541 = arith.constant 9 : index
    %get3A_542 = arith.constant 0 : index
    %get3A_543 = arith.constant 0 : index
    %get3A_544 = vector.load %arg1[%get3A_540, %get3A_541, %get3A_542, %get3A_543] : memref<1x20x200x4xf32, #tpu.memory_space<vmem>>, vector<1x1x200x4xf32>
    %get3A_545 = vector.shape_cast %get3A_544 : vector<1x1x200x4xf32> to vector<200x4xf32>
    %get3A_546 = arith.constant 0 : index
    %get3A_547 = arith.constant 9 : index
    %get3A_548 = arith.constant 0 : index
    %get3A_549 = arith.constant 0 : index
    %get3A_550 = vector.load %arg2[%get3A_546, %get3A_547, %get3A_548, %get3A_549] : memref<1x20x4x200xf32, #tpu.memory_space<vmem>>, vector<1x1x4x200xf32>
    %get3A_551 = vector.shape_cast %get3A_550 : vector<1x1x4x200xf32> to vector<4x200xf32>
    %slice3A_552 = vector.extract_strided_slice %get3A_545 {offsets = [0, 0], sizes = [200, 1], strides = [1, 1]} : vector<200x4xf32> to vector<200x1xf32>
    %slice3A_553 = vector.extract_strided_slice %get3A_545 {offsets = [0, 1], sizes = [200, 1], strides = [1, 1]} : vector<200x4xf32> to vector<200x1xf32>
    %slice3A_554 = vector.extract_strided_slice %get3A_545 {offsets = [0, 2], sizes = [200, 1], strides = [1, 1]} : vector<200x4xf32> to vector<200x1xf32>
    %slice3A_555 = vector.extract_strided_slice %get3A_545 {offsets = [0, 3], sizes = [200, 1], strides = [1, 1]} : vector<200x4xf32> to vector<200x1xf32>
    %slice3A_556 = vector.extract_strided_slice %get3A_551 {offsets = [0, 0], sizes = [1, 200], strides = [1, 1]} : vector<4x200xf32> to vector<1x200xf32>
    %slice3A_557 = vector.extract_strided_slice %get3A_551 {offsets = [1, 0], sizes = [1, 200], strides = [1, 1]} : vector<4x200xf32> to vector<1x200xf32>
    %slice3A_558 = vector.extract_strided_slice %get3A_551 {offsets = [2, 0], sizes = [1, 200], strides = [1, 1]} : vector<4x200xf32> to vector<1x200xf32>
    %slice3A_559 = vector.extract_strided_slice %get3A_551 {offsets = [3, 0], sizes = [1, 200], strides = [1, 1]} : vector<4x200xf32> to vector<1x200xf32>
    %min3A_560 = vector.broadcast %slice3A_554 : vector<200x1xf32> to vector<200x200xf32>
    %min3A_561 = vector.broadcast %slice3A_558 : vector<1x200xf32> to vector<200x200xf32>
    %min3A_562 = arith.minimumf %min3A_560, %min3A_561 : vector<200x200xf32>
    %max3A_563 = vector.broadcast %slice3A_552 : vector<200x1xf32> to vector<200x200xf32>
    %max3A_564 = vector.broadcast %slice3A_556 : vector<1x200xf32> to vector<200x200xf32>
    %max3A_565 = arith.maximumf %max3A_563, %max3A_564 : vector<200x200xf32>
    %sub3A_566 = arith.subf %min3A_562, %max3A_565 : vector<200x200xf32>
    %max3A_567 = arith.constant 0.000000e+00 : f32
    %max3A_568 = vector.broadcast %max3A_567 : f32 to vector<200x200xf32>
    %max3A_569 = arith.maximumf %sub3A_566, %max3A_568 : vector<200x200xf32>
    %min3A_570 = vector.broadcast %slice3A_555 : vector<200x1xf32> to vector<200x200xf32>
    %min3A_571 = vector.broadcast %slice3A_559 : vector<1x200xf32> to vector<200x200xf32>
    %min3A_572 = arith.minimumf %min3A_570, %min3A_571 : vector<200x200xf32>
    %max3A_573 = vector.broadcast %slice3A_553 : vector<200x1xf32> to vector<200x200xf32>
    %max3A_574 = vector.broadcast %slice3A_557 : vector<1x200xf32> to vector<200x200xf32>
    %max3A_575 = arith.maximumf %max3A_573, %max3A_574 : vector<200x200xf32>
    %sub3A_576 = arith.subf %min3A_572, %max3A_575 : vector<200x200xf32>
    %max3A_577 = arith.constant 0.000000e+00 : f32
    %max3A_578 = vector.broadcast %max3A_577 : f32 to vector<200x200xf32>
    %max3A_579 = arith.maximumf %sub3A_576, %max3A_578 : vector<200x200xf32>
    %mul3A_580 = arith.mulf %max3A_569, %max3A_579 : vector<200x200xf32>
    %sub3A_581 = arith.subf %slice3A_554, %slice3A_552 : vector<200x1xf32>
    %sub3A_582 = arith.subf %slice3A_555, %slice3A_553 : vector<200x1xf32>
    %mul3A_583 = arith.mulf %sub3A_581, %sub3A_582 : vector<200x1xf32>
    %sub3A_584 = arith.subf %slice3A_558, %slice3A_556 : vector<1x200xf32>
    %sub3A_585 = arith.subf %slice3A_559, %slice3A_557 : vector<1x200xf32>
    %mul3A_586 = arith.mulf %sub3A_584, %sub3A_585 : vector<1x200xf32>
    %add3A_587 = vector.broadcast %mul3A_583 : vector<200x1xf32> to vector<200x200xf32>
    %add3A_588 = vector.broadcast %mul3A_586 : vector<1x200xf32> to vector<200x200xf32>
    %add3A_589 = arith.addf %add3A_587, %add3A_588 : vector<200x200xf32>
    %sub3A_590 = arith.subf %add3A_589, %mul3A_580 : vector<200x200xf32>
    %max3A_591 = arith.constant 1.000000e-10 : f32
    %max3A_592 = vector.broadcast %max3A_591 : f32 to vector<200x200xf32>
    %max3A_593 = arith.maximumf %sub3A_590, %max3A_592 : vector<200x200xf32>
    %div3A_594 = arith.divf %mul3A_580, %max3A_593 : vector<200x200xf32>
    %swap3A_595 = arith.constant 0 : index
    %swap3A_596 = arith.constant 9 : index
    %swap3A_597 = arith.constant 0 : index
    %swap3A_598 = vector.load %arg6[%swap3A_595, %swap3A_596, %swap3A_597] : memref<200x20x200xf32, #tpu.memory_space<vmem>>, vector<200x1x200xf32>
    %swap3A_599 = vector.shape_cast %swap3A_598 : vector<200x1x200xf32> to vector<200x200xf32>
    %swap3A_600 = vector.shape_cast %div3A_594 : vector<200x200xf32> to vector<200x1x200xf32>
    tpu.vector_store %arg6[%swap3A_595, %swap3A_596, %swap3A_597], %swap3A_600 {strides = array<i32>} : memref<200x20x200xf32, #tpu.memory_space<vmem>>, vector<200x1x200xf32>,
    %get3A_601 = arith.constant 0 : index
    %get3A_602 = arith.constant 10 : index
    %get3A_603 = arith.constant 0 : index
    %get3A_604 = arith.constant 0 : index
    %get3A_605 = vector.load %arg1[%get3A_601, %get3A_602, %get3A_603, %get3A_604] : memref<1x20x200x4xf32, #tpu.memory_space<vmem>>, vector<1x1x200x4xf32>
    %get3A_606 = vector.shape_cast %get3A_605 : vector<1x1x200x4xf32> to vector<200x4xf32>
    %get3A_607 = arith.constant 0 : index
    %get3A_608 = arith.constant 10 : index
    %get3A_609 = arith.constant 0 : index
    %get3A_610 = arith.constant 0 : index
    %get3A_611 = vector.load %arg2[%get3A_607, %get3A_608, %get3A_609, %get3A_610] : memref<1x20x4x200xf32, #tpu.memory_space<vmem>>, vector<1x1x4x200xf32>
    %get3A_612 = vector.shape_cast %get3A_611 : vector<1x1x4x200xf32> to vector<4x200xf32>
    %slice3A_613 = vector.extract_strided_slice %get3A_606 {offsets = [0, 0], sizes = [200, 1], strides = [1, 1]} : vector<200x4xf32> to vector<200x1xf32>
    %slice3A_614 = vector.extract_strided_slice %get3A_606 {offsets = [0, 1], sizes = [200, 1], strides = [1, 1]} : vector<200x4xf32> to vector<200x1xf32>
    %slice3A_615 = vector.extract_strided_slice %get3A_606 {offsets = [0, 2], sizes = [200, 1], strides = [1, 1]} : vector<200x4xf32> to vector<200x1xf32>
    %slice3A_616 = vector.extract_strided_slice %get3A_606 {offsets = [0, 3], sizes = [200, 1], strides = [1, 1]} : vector<200x4xf32> to vector<200x1xf32>
    %slice3A_617 = vector.extract_strided_slice %get3A_612 {offsets = [0, 0], sizes = [1, 200], strides = [1, 1]} : vector<4x200xf32> to vector<1x200xf32>
    %slice3A_618 = vector.extract_strided_slice %get3A_612 {offsets = [1, 0], sizes = [1, 200], strides = [1, 1]} : vector<4x200xf32> to vector<1x200xf32>
    %slice3A_619 = vector.extract_strided_slice %get3A_612 {offsets = [2, 0], sizes = [1, 200], strides = [1, 1]} : vector<4x200xf32> to vector<1x200xf32>
    %slice3A_620 = vector.extract_strided_slice %get3A_612 {offsets = [3, 0], sizes = [1, 200], strides = [1, 1]} : vector<4x200xf32> to vector<1x200xf32>
    %min3A_621 = vector.broadcast %slice3A_615 : vector<200x1xf32> to vector<200x200xf32>
    %min3A_622 = vector.broadcast %slice3A_619 : vector<1x200xf32> to vector<200x200xf32>
    %min3A_623 = arith.minimumf %min3A_621, %min3A_622 : vector<200x200xf32>
    %max3A_624 = vector.broadcast %slice3A_613 : vector<200x1xf32> to vector<200x200xf32>
    %max3A_625 = vector.broadcast %slice3A_617 : vector<1x200xf32> to vector<200x200xf32>
    %max3A_626 = arith.maximumf %max3A_624, %max3A_625 : vector<200x200xf32>
    %sub3A_627 = arith.subf %min3A_623, %max3A_626 : vector<200x200xf32>
    %max3A_628 = arith.constant 0.000000e+00 : f32
    %max3A_629 = vector.broadcast %max3A_628 : f32 to vector<200x200xf32>
    %max3A_630 = arith.maximumf %sub3A_627, %max3A_629 : vector<200x200xf32>
    %min3A_631 = vector.broadcast %slice3A_616 : vector<200x1xf32> to vector<200x200xf32>
    %min3A_632 = vector.broadcast %slice3A_620 : vector<1x200xf32> to vector<200x200xf32>
    %min3A_633 = arith.minimumf %min3A_631, %min3A_632 : vector<200x200xf32>
    %max3A_634 = vector.broadcast %slice3A_614 : vector<200x1xf32> to vector<200x200xf32>
    %max3A_635 = vector.broadcast %slice3A_618 : vector<1x200xf32> to vector<200x200xf32>
    %max3A_636 = arith.maximumf %max3A_634, %max3A_635 : vector<200x200xf32>
    %sub3A_637 = arith.subf %min3A_633, %max3A_636 : vector<200x200xf32>
    %max3A_638 = arith.constant 0.000000e+00 : f32
    %max3A_639 = vector.broadcast %max3A_638 : f32 to vector<200x200xf32>
    %max3A_640 = arith.maximumf %sub3A_637, %max3A_639 : vector<200x200xf32>
    %mul3A_641 = arith.mulf %max3A_630, %max3A_640 : vector<200x200xf32>
    %sub3A_642 = arith.subf %slice3A_615, %slice3A_613 : vector<200x1xf32>
    %sub3A_643 = arith.subf %slice3A_616, %slice3A_614 : vector<200x1xf32>
    %mul3A_644 = arith.mulf %sub3A_642, %sub3A_643 : vector<200x1xf32>
    %sub3A_645 = arith.subf %slice3A_619, %slice3A_617 : vector<1x200xf32>
    %sub3A_646 = arith.subf %slice3A_620, %slice3A_618 : vector<1x200xf32>
    %mul3A_647 = arith.mulf %sub3A_645, %sub3A_646 : vector<1x200xf32>
    %add3A_648 = vector.broadcast %mul3A_644 : vector<200x1xf32> to vector<200x200xf32>
    %add3A_649 = vector.broadcast %mul3A_647 : vector<1x200xf32> to vector<200x200xf32>
    %add3A_650 = arith.addf %add3A_648, %add3A_649 : vector<200x200xf32>
    %sub3A_651 = arith.subf %add3A_650, %mul3A_641 : vector<200x200xf32>
    %max3A_652 = arith.constant 1.000000e-10 : f32
    %max3A_653 = vector.broadcast %max3A_652 : f32 to vector<200x200xf32>
    %max3A_654 = arith.maximumf %sub3A_651, %max3A_653 : vector<200x200xf32>
    %div3A_655 = arith.divf %mul3A_641, %max3A_654 : vector<200x200xf32>
    %swap3A_656 = arith.constant 0 : index
    %swap3A_657 = arith.constant 10 : index
    %swap3A_658 = arith.constant 0 : index
    %swap3A_659 = vector.load %arg6[%swap3A_656, %swap3A_657, %swap3A_658] : memref<200x20x200xf32, #tpu.memory_space<vmem>>, vector<200x1x200xf32>
    %swap3A_660 = vector.shape_cast %swap3A_659 : vector<200x1x200xf32> to vector<200x200xf32>
    %swap3A_661 = vector.shape_cast %div3A_655 : vector<200x200xf32> to vector<200x1x200xf32>
    tpu.vector_store %arg6[%swap3A_656, %swap3A_657, %swap3A_658], %swap3A_661 {strides = array<i32>} : memref<200x20x200xf32, #tpu.memory_space<vmem>>, vector<200x1x200xf32>,
    %get3A_662 = arith.constant 0 : index
    %get3A_663 = arith.constant 11 : index
    %get3A_664 = arith.constant 0 : index
    %get3A_665 = arith.constant 0 : index
    %get3A_666 = vector.load %arg1[%get3A_662, %get3A_663, %get3A_664, %get3A_665] : memref<1x20x200x4xf32, #tpu.memory_space<vmem>>, vector<1x1x200x4xf32>
    %get3A_667 = vector.shape_cast %get3A_666 : vector<1x1x200x4xf32> to vector<200x4xf32>
    %get3A_668 = arith.constant 0 : index
    %get3A_669 = arith.constant 11 : index
    %get3A_670 = arith.constant 0 : index
    %get3A_671 = arith.constant 0 : index
    %get3A_672 = vector.load %arg2[%get3A_668, %get3A_669, %get3A_670, %get3A_671] : memref<1x20x4x200xf32, #tpu.memory_space<vmem>>, vector<1x1x4x200xf32>
    %get3A_673 = vector.shape_cast %get3A_672 : vector<1x1x4x200xf32> to vector<4x200xf32>
    %slice3A_674 = vector.extract_strided_slice %get3A_667 {offsets = [0, 0], sizes = [200, 1], strides = [1, 1]} : vector<200x4xf32> to vector<200x1xf32>
    %slice3A_675 = vector.extract_strided_slice %get3A_667 {offsets = [0, 1], sizes = [200, 1], strides = [1, 1]} : vector<200x4xf32> to vector<200x1xf32>
    %slice3A_676 = vector.extract_strided_slice %get3A_667 {offsets = [0, 2], sizes = [200, 1], strides = [1, 1]} : vector<200x4xf32> to vector<200x1xf32>
    %slice3A_677 = vector.extract_strided_slice %get3A_667 {offsets = [0, 3], sizes = [200, 1], strides = [1, 1]} : vector<200x4xf32> to vector<200x1xf32>
    %slice3A_678 = vector.extract_strided_slice %get3A_673 {offsets = [0, 0], sizes = [1, 200], strides = [1, 1]} : vector<4x200xf32> to vector<1x200xf32>
    %slice3A_679 = vector.extract_strided_slice %get3A_673 {offsets = [1, 0], sizes = [1, 200], strides = [1, 1]} : vector<4x200xf32> to vector<1x200xf32>
    %slice3A_680 = vector.extract_strided_slice %get3A_673 {offsets = [2, 0], sizes = [1, 200], strides = [1, 1]} : vector<4x200xf32> to vector<1x200xf32>
    %slice3A_681 = vector.extract_strided_slice %get3A_673 {offsets = [3, 0], sizes = [1, 200], strides = [1, 1]} : vector<4x200xf32> to vector<1x200xf32>
    %min3A_682 = vector.broadcast %slice3A_676 : vector<200x1xf32> to vector<200x200xf32>
    %min3A_683 = vector.broadcast %slice3A_680 : vector<1x200xf32> to vector<200x200xf32>
    %min3A_684 = arith.minimumf %min3A_682, %min3A_683 : vector<200x200xf32>
    %max3A_685 = vector.broadcast %slice3A_674 : vector<200x1xf32> to vector<200x200xf32>
    %max3A_686 = vector.broadcast %slice3A_678 : vector<1x200xf32> to vector<200x200xf32>
    %max3A_687 = arith.maximumf %max3A_685, %max3A_686 : vector<200x200xf32>
    %sub3A_688 = arith.subf %min3A_684, %max3A_687 : vector<200x200xf32>
    %max3A_689 = arith.constant 0.000000e+00 : f32
    %max3A_690 = vector.broadcast %max3A_689 : f32 to vector<200x200xf32>
    %max3A_691 = arith.maximumf %sub3A_688, %max3A_690 : vector<200x200xf32>
    %min3A_692 = vector.broadcast %slice3A_677 : vector<200x1xf32> to vector<200x200xf32>
    %min3A_693 = vector.broadcast %slice3A_681 : vector<1x200xf32> to vector<200x200xf32>
    %min3A_694 = arith.minimumf %min3A_692, %min3A_693 : vector<200x200xf32>
    %max3A_695 = vector.broadcast %slice3A_675 : vector<200x1xf32> to vector<200x200xf32>
    %max3A_696 = vector.broadcast %slice3A_679 : vector<1x200xf32> to vector<200x200xf32>
    %max3A_697 = arith.maximumf %max3A_695, %max3A_696 : vector<200x200xf32>
    %sub3A_698 = arith.subf %min3A_694, %max3A_697 : vector<200x200xf32>
    %max3A_699 = arith.constant 0.000000e+00 : f32
    %max3A_700 = vector.broadcast %max3A_699 : f32 to vector<200x200xf32>
    %max3A_701 = arith.maximumf %sub3A_698, %max3A_700 : vector<200x200xf32>
    %mul3A_702 = arith.mulf %max3A_691, %max3A_701 : vector<200x200xf32>
    %sub3A_703 = arith.subf %slice3A_676, %slice3A_674 : vector<200x1xf32>
    %sub3A_704 = arith.subf %slice3A_677, %slice3A_675 : vector<200x1xf32>
    %mul3A_705 = arith.mulf %sub3A_703, %sub3A_704 : vector<200x1xf32>
    %sub3A_706 = arith.subf %slice3A_680, %slice3A_678 : vector<1x200xf32>
    %sub3A_707 = arith.subf %slice3A_681, %slice3A_679 : vector<1x200xf32>
    %mul3A_708 = arith.mulf %sub3A_706, %sub3A_707 : vector<1x200xf32>
    %add3A_709 = vector.broadcast %mul3A_705 : vector<200x1xf32> to vector<200x200xf32>
    %add3A_710 = vector.broadcast %mul3A_708 : vector<1x200xf32> to vector<200x200xf32>
    %add3A_711 = arith.addf %add3A_709, %add3A_710 : vector<200x200xf32>
    %sub3A_712 = arith.subf %add3A_711, %mul3A_702 : vector<200x200xf32>
    %max3A_713 = arith.constant 1.000000e-10 : f32
    %max3A_714 = vector.broadcast %max3A_713 : f32 to vector<200x200xf32>
    %max3A_715 = arith.maximumf %sub3A_712, %max3A_714 : vector<200x200xf32>
    %div3A_716 = arith.divf %mul3A_702, %max3A_715 : vector<200x200xf32>
    %swap3A_717 = arith.constant 0 : index
    %swap3A_718 = arith.constant 11 : index
    %swap3A_719 = arith.constant 0 : index
    %swap3A_720 = vector.load %arg6[%swap3A_717, %swap3A_718, %swap3A_719] : memref<200x20x200xf32, #tpu.memory_space<vmem>>, vector<200x1x200xf32>
    %swap3A_721 = vector.shape_cast %swap3A_720 : vector<200x1x200xf32> to vector<200x200xf32>
    %swap3A_722 = vector.shape_cast %div3A_716 : vector<200x200xf32> to vector<200x1x200xf32>
    tpu.vector_store %arg6[%swap3A_717, %swap3A_718, %swap3A_719], %swap3A_722 {strides = array<i32>} : memref<200x20x200xf32, #tpu.memory_space<vmem>>, vector<200x1x200xf32>,
    %get3A_723 = arith.constant 0 : index
    %get3A_724 = arith.constant 12 : index
    %get3A_725 = arith.constant 0 : index
    %get3A_726 = arith.constant 0 : index
    %get3A_727 = vector.load %arg1[%get3A_723, %get3A_724, %get3A_725, %get3A_726] : memref<1x20x200x4xf32, #tpu.memory_space<vmem>>, vector<1x1x200x4xf32>
    %get3A_728 = vector.shape_cast %get3A_727 : vector<1x1x200x4xf32> to vector<200x4xf32>
    %get3A_729 = arith.constant 0 : index
    %get3A_730 = arith.constant 12 : index
    %get3A_731 = arith.constant 0 : index
    %get3A_732 = arith.constant 0 : index
    %get3A_733 = vector.load %arg2[%get3A_729, %get3A_730, %get3A_731, %get3A_732] : memref<1x20x4x200xf32, #tpu.memory_space<vmem>>, vector<1x1x4x200xf32>
    %get3A_734 = vector.shape_cast %get3A_733 : vector<1x1x4x200xf32> to vector<4x200xf32>
    %slice3A_735 = vector.extract_strided_slice %get3A_728 {offsets = [0, 0], sizes = [200, 1], strides = [1, 1]} : vector<200x4xf32> to vector<200x1xf32>
    %slice3A_736 = vector.extract_strided_slice %get3A_728 {offsets = [0, 1], sizes = [200, 1], strides = [1, 1]} : vector<200x4xf32> to vector<200x1xf32>
    %slice3A_737 = vector.extract_strided_slice %get3A_728 {offsets = [0, 2], sizes = [200, 1], strides = [1, 1]} : vector<200x4xf32> to vector<200x1xf32>
    %slice3A_738 = vector.extract_strided_slice %get3A_728 {offsets = [0, 3], sizes = [200, 1], strides = [1, 1]} : vector<200x4xf32> to vector<200x1xf32>
    %slice3A_739 = vector.extract_strided_slice %get3A_734 {offsets = [0, 0], sizes = [1, 200], strides = [1, 1]} : vector<4x200xf32> to vector<1x200xf32>
    %slice3A_740 = vector.extract_strided_slice %get3A_734 {offsets = [1, 0], sizes = [1, 200], strides = [1, 1]} : vector<4x200xf32> to vector<1x200xf32>
    %slice3A_741 = vector.extract_strided_slice %get3A_734 {offsets = [2, 0], sizes = [1, 200], strides = [1, 1]} : vector<4x200xf32> to vector<1x200xf32>
    %slice3A_742 = vector.extract_strided_slice %get3A_734 {offsets = [3, 0], sizes = [1, 200], strides = [1, 1]} : vector<4x200xf32> to vector<1x200xf32>
    %min3A_743 = vector.broadcast %slice3A_737 : vector<200x1xf32> to vector<200x200xf32>
    %min3A_744 = vector.broadcast %slice3A_741 : vector<1x200xf32> to vector<200x200xf32>
    %min3A_745 = arith.minimumf %min3A_743, %min3A_744 : vector<200x200xf32>
    %max3A_746 = vector.broadcast %slice3A_735 : vector<200x1xf32> to vector<200x200xf32>
    %max3A_747 = vector.broadcast %slice3A_739 : vector<1x200xf32> to vector<200x200xf32>
    %max3A_748 = arith.maximumf %max3A_746, %max3A_747 : vector<200x200xf32>
    %sub3A_749 = arith.subf %min3A_745, %max3A_748 : vector<200x200xf32>
    %max3A_750 = arith.constant 0.000000e+00 : f32
    %max3A_751 = vector.broadcast %max3A_750 : f32 to vector<200x200xf32>
    %max3A_752 = arith.maximumf %sub3A_749, %max3A_751 : vector<200x200xf32>
    %min3A_753 = vector.broadcast %slice3A_738 : vector<200x1xf32> to vector<200x200xf32>
    %min3A_754 = vector.broadcast %slice3A_742 : vector<1x200xf32> to vector<200x200xf32>
    %min3A_755 = arith.minimumf %min3A_753, %min3A_754 : vector<200x200xf32>
    %max3A_756 = vector.broadcast %slice3A_736 : vector<200x1xf32> to vector<200x200xf32>
    %max3A_757 = vector.broadcast %slice3A_740 : vector<1x200xf32> to vector<200x200xf32>
    %max3A_758 = arith.maximumf %max3A_756, %max3A_757 : vector<200x200xf32>
    %sub3A_759 = arith.subf %min3A_755, %max3A_758 : vector<200x200xf32>
    %max3A_760 = arith.constant 0.000000e+00 : f32
    %max3A_761 = vector.broadcast %max3A_760 : f32 to vector<200x200xf32>
    %max3A_762 = arith.maximumf %sub3A_759, %max3A_761 : vector<200x200xf32>
    %mul3A_763 = arith.mulf %max3A_752, %max3A_762 : vector<200x200xf32>
    %sub3A_764 = arith.subf %slice3A_737, %slice3A_735 : vector<200x1xf32>
    %sub3A_765 = arith.subf %slice3A_738, %slice3A_736 : vector<200x1xf32>
    %mul3A_766 = arith.mulf %sub3A_764, %sub3A_765 : vector<200x1xf32>
    %sub3A_767 = arith.subf %slice3A_741, %slice3A_739 : vector<1x200xf32>
    %sub3A_768 = arith.subf %slice3A_742, %slice3A_740 : vector<1x200xf32>
    %mul3A_769 = arith.mulf %sub3A_767, %sub3A_768 : vector<1x200xf32>
    %add3A_770 = vector.broadcast %mul3A_766 : vector<200x1xf32> to vector<200x200xf32>
    %add3A_771 = vector.broadcast %mul3A_769 : vector<1x200xf32> to vector<200x200xf32>
    %add3A_772 = arith.addf %add3A_770, %add3A_771 : vector<200x200xf32>
    %sub3A_773 = arith.subf %add3A_772, %mul3A_763 : vector<200x200xf32>
    %max3A_774 = arith.constant 1.000000e-10 : f32
    %max3A_775 = vector.broadcast %max3A_774 : f32 to vector<200x200xf32>
    %max3A_776 = arith.maximumf %sub3A_773, %max3A_775 : vector<200x200xf32>
    %div3A_777 = arith.divf %mul3A_763, %max3A_776 : vector<200x200xf32>
    %swap3A_778 = arith.constant 0 : index
    %swap3A_779 = arith.constant 12 : index
    %swap3A_780 = arith.constant 0 : index
    %swap3A_781 = vector.load %arg6[%swap3A_778, %swap3A_779, %swap3A_780] : memref<200x20x200xf32, #tpu.memory_space<vmem>>, vector<200x1x200xf32>
    %swap3A_782 = vector.shape_cast %swap3A_781 : vector<200x1x200xf32> to vector<200x200xf32>
    %swap3A_783 = vector.shape_cast %div3A_777 : vector<200x200xf32> to vector<200x1x200xf32>
    tpu.vector_store %arg6[%swap3A_778, %swap3A_779, %swap3A_780], %swap3A_783 {strides = array<i32>} : memref<200x20x200xf32, #tpu.memory_space<vmem>>, vector<200x1x200xf32>,
    %get3A_784 = arith.constant 0 : index
    %get3A_785 = arith.constant 13 : index
    %get3A_786 = arith.constant 0 : index
    %get3A_787 = arith.constant 0 : index
    %get3A_788 = vector.load %arg1[%get3A_784, %get3A_785, %get3A_786, %get3A_787] : memref<1x20x200x4xf32, #tpu.memory_space<vmem>>, vector<1x1x200x4xf32>
    %get3A_789 = vector.shape_cast %get3A_788 : vector<1x1x200x4xf32> to vector<200x4xf32>
    %get3A_790 = arith.constant 0 : index
    %get3A_791 = arith.constant 13 : index
    %get3A_792 = arith.constant 0 : index
    %get3A_793 = arith.constant 0 : index
    %get3A_794 = vector.load %arg2[%get3A_790, %get3A_791, %get3A_792, %get3A_793] : memref<1x20x4x200xf32, #tpu.memory_space<vmem>>, vector<1x1x4x200xf32>
    %get3A_795 = vector.shape_cast %get3A_794 : vector<1x1x4x200xf32> to vector<4x200xf32>
    %slice3A_796 = vector.extract_strided_slice %get3A_789 {offsets = [0, 0], sizes = [200, 1], strides = [1, 1]} : vector<200x4xf32> to vector<200x1xf32>
    %slice3A_797 = vector.extract_strided_slice %get3A_789 {offsets = [0, 1], sizes = [200, 1], strides = [1, 1]} : vector<200x4xf32> to vector<200x1xf32>
    %slice3A_798 = vector.extract_strided_slice %get3A_789 {offsets = [0, 2], sizes = [200, 1], strides = [1, 1]} : vector<200x4xf32> to vector<200x1xf32>
    %slice3A_799 = vector.extract_strided_slice %get3A_789 {offsets = [0, 3], sizes = [200, 1], strides = [1, 1]} : vector<200x4xf32> to vector<200x1xf32>
    %slice3A_800 = vector.extract_strided_slice %get3A_795 {offsets = [0, 0], sizes = [1, 200], strides = [1, 1]} : vector<4x200xf32> to vector<1x200xf32>
    %slice3A_801 = vector.extract_strided_slice %get3A_795 {offsets = [1, 0], sizes = [1, 200], strides = [1, 1]} : vector<4x200xf32> to vector<1x200xf32>
    %slice3A_802 = vector.extract_strided_slice %get3A_795 {offsets = [2, 0], sizes = [1, 200], strides = [1, 1]} : vector<4x200xf32> to vector<1x200xf32>
    %slice3A_803 = vector.extract_strided_slice %get3A_795 {offsets = [3, 0], sizes = [1, 200], strides = [1, 1]} : vector<4x200xf32> to vector<1x200xf32>
    %min3A_804 = vector.broadcast %slice3A_798 : vector<200x1xf32> to vector<200x200xf32>
    %min3A_805 = vector.broadcast %slice3A_802 : vector<1x200xf32> to vector<200x200xf32>
    %min3A_806 = arith.minimumf %min3A_804, %min3A_805 : vector<200x200xf32>
    %max3A_807 = vector.broadcast %slice3A_796 : vector<200x1xf32> to vector<200x200xf32>
    %max3A_808 = vector.broadcast %slice3A_800 : vector<1x200xf32> to vector<200x200xf32>
    %max3A_809 = arith.maximumf %max3A_807, %max3A_808 : vector<200x200xf32>
    %sub3A_810 = arith.subf %min3A_806, %max3A_809 : vector<200x200xf32>
    %max3A_811 = arith.constant 0.000000e+00 : f32
    %max3A_812 = vector.broadcast %max3A_811 : f32 to vector<200x200xf32>
    %max3A_813 = arith.maximumf %sub3A_810, %max3A_812 : vector<200x200xf32>
    %min3A_814 = vector.broadcast %slice3A_799 : vector<200x1xf32> to vector<200x200xf32>
    %min3A_815 = vector.broadcast %slice3A_803 : vector<1x200xf32> to vector<200x200xf32>
    %min3A_816 = arith.minimumf %min3A_814, %min3A_815 : vector<200x200xf32>
    %max3A_817 = vector.broadcast %slice3A_797 : vector<200x1xf32> to vector<200x200xf32>
    %max3A_818 = vector.broadcast %slice3A_801 : vector<1x200xf32> to vector<200x200xf32>
    %max3A_819 = arith.maximumf %max3A_817, %max3A_818 : vector<200x200xf32>
    %sub3A_820 = arith.subf %min3A_816, %max3A_819 : vector<200x200xf32>
    %max3A_821 = arith.constant 0.000000e+00 : f32
    %max3A_822 = vector.broadcast %max3A_821 : f32 to vector<200x200xf32>
    %max3A_823 = arith.maximumf %sub3A_820, %max3A_822 : vector<200x200xf32>
    %mul3A_824 = arith.mulf %max3A_813, %max3A_823 : vector<200x200xf32>
    %sub3A_825 = arith.subf %slice3A_798, %slice3A_796 : vector<200x1xf32>
    %sub3A_826 = arith.subf %slice3A_799, %slice3A_797 : vector<200x1xf32>
    %mul3A_827 = arith.mulf %sub3A_825, %sub3A_826 : vector<200x1xf32>
    %sub3A_828 = arith.subf %slice3A_802, %slice3A_800 : vector<1x200xf32>
    %sub3A_829 = arith.subf %slice3A_803, %slice3A_801 : vector<1x200xf32>
    %mul3A_830 = arith.mulf %sub3A_828, %sub3A_829 : vector<1x200xf32>
    %add3A_831 = vector.broadcast %mul3A_827 : vector<200x1xf32> to vector<200x200xf32>
    %add3A_832 = vector.broadcast %mul3A_830 : vector<1x200xf32> to vector<200x200xf32>
    %add3A_833 = arith.addf %add3A_831, %add3A_832 : vector<200x200xf32>
    %sub3A_834 = arith.subf %add3A_833, %mul3A_824 : vector<200x200xf32>
    %max3A_835 = arith.constant 1.000000e-10 : f32
    %max3A_836 = vector.broadcast %max3A_835 : f32 to vector<200x200xf32>
    %max3A_837 = arith.maximumf %sub3A_834, %max3A_836 : vector<200x200xf32>
    %div3A_838 = arith.divf %mul3A_824, %max3A_837 : vector<200x200xf32>
    %swap3A_839 = arith.constant 0 : index
    %swap3A_840 = arith.constant 13 : index
    %swap3A_841 = arith.constant 0 : index
    %swap3A_842 = vector.load %arg6[%swap3A_839, %swap3A_840, %swap3A_841] : memref<200x20x200xf32, #tpu.memory_space<vmem>>, vector<200x1x200xf32>
    %swap3A_843 = vector.shape_cast %swap3A_842 : vector<200x1x200xf32> to vector<200x200xf32>
    %swap3A_844 = vector.shape_cast %div3A_838 : vector<200x200xf32> to vector<200x1x200xf32>
    tpu.vector_store %arg6[%swap3A_839, %swap3A_840, %swap3A_841], %swap3A_844 {strides = array<i32>} : memref<200x20x200xf32, #tpu.memory_space<vmem>>, vector<200x1x200xf32>,
    %get3A_845 = arith.constant 0 : index
    %get3A_846 = arith.constant 14 : index
    %get3A_847 = arith.constant 0 : index
    %get3A_848 = arith.constant 0 : index
    %get3A_849 = vector.load %arg1[%get3A_845, %get3A_846, %get3A_847, %get3A_848] : memref<1x20x200x4xf32, #tpu.memory_space<vmem>>, vector<1x1x200x4xf32>
    %get3A_850 = vector.shape_cast %get3A_849 : vector<1x1x200x4xf32> to vector<200x4xf32>
    %get3A_851 = arith.constant 0 : index
    %get3A_852 = arith.constant 14 : index
    %get3A_853 = arith.constant 0 : index
    %get3A_854 = arith.constant 0 : index
    %get3A_855 = vector.load %arg2[%get3A_851, %get3A_852, %get3A_853, %get3A_854] : memref<1x20x4x200xf32, #tpu.memory_space<vmem>>, vector<1x1x4x200xf32>
    %get3A_856 = vector.shape_cast %get3A_855 : vector<1x1x4x200xf32> to vector<4x200xf32>
    %slice3A_857 = vector.extract_strided_slice %get3A_850 {offsets = [0, 0], sizes = [200, 1], strides = [1, 1]} : vector<200x4xf32> to vector<200x1xf32>
    %slice3A_858 = vector.extract_strided_slice %get3A_850 {offsets = [0, 1], sizes = [200, 1], strides = [1, 1]} : vector<200x4xf32> to vector<200x1xf32>
    %slice3A_859 = vector.extract_strided_slice %get3A_850 {offsets = [0, 2], sizes = [200, 1], strides = [1, 1]} : vector<200x4xf32> to vector<200x1xf32>
    %slice3A_860 = vector.extract_strided_slice %get3A_850 {offsets = [0, 3], sizes = [200, 1], strides = [1, 1]} : vector<200x4xf32> to vector<200x1xf32>
    %slice3A_861 = vector.extract_strided_slice %get3A_856 {offsets = [0, 0], sizes = [1, 200], strides = [1, 1]} : vector<4x200xf32> to vector<1x200xf32>
    %slice3A_862 = vector.extract_strided_slice %get3A_856 {offsets = [1, 0], sizes = [1, 200], strides = [1, 1]} : vector<4x200xf32> to vector<1x200xf32>
    %slice3A_863 = vector.extract_strided_slice %get3A_856 {offsets = [2, 0], sizes = [1, 200], strides = [1, 1]} : vector<4x200xf32> to vector<1x200xf32>
    %slice3A_864 = vector.extract_strided_slice %get3A_856 {offsets = [3, 0], sizes = [1, 200], strides = [1, 1]} : vector<4x200xf32> to vector<1x200xf32>
    %min3A_865 = vector.broadcast %slice3A_859 : vector<200x1xf32> to vector<200x200xf32>
    %min3A_866 = vector.broadcast %slice3A_863 : vector<1x200xf32> to vector<200x200xf32>
    %min3A_867 = arith.minimumf %min3A_865, %min3A_866 : vector<200x200xf32>
    %max3A_868 = vector.broadcast %slice3A_857 : vector<200x1xf32> to vector<200x200xf32>
    %max3A_869 = vector.broadcast %slice3A_861 : vector<1x200xf32> to vector<200x200xf32>
    %max3A_870 = arith.maximumf %max3A_868, %max3A_869 : vector<200x200xf32>
    %sub3A_871 = arith.subf %min3A_867, %max3A_870 : vector<200x200xf32>
    %max3A_872 = arith.constant 0.000000e+00 : f32
    %max3A_873 = vector.broadcast %max3A_872 : f32 to vector<200x200xf32>
    %max3A_874 = arith.maximumf %sub3A_871, %max3A_873 : vector<200x200xf32>
    %min3A_875 = vector.broadcast %slice3A_860 : vector<200x1xf32> to vector<200x200xf32>
    %min3A_876 = vector.broadcast %slice3A_864 : vector<1x200xf32> to vector<200x200xf32>
    %min3A_877 = arith.minimumf %min3A_875, %min3A_876 : vector<200x200xf32>
    %max3A_878 = vector.broadcast %slice3A_858 : vector<200x1xf32> to vector<200x200xf32>
    %max3A_879 = vector.broadcast %slice3A_862 : vector<1x200xf32> to vector<200x200xf32>
    %max3A_880 = arith.maximumf %max3A_878, %max3A_879 : vector<200x200xf32>
    %sub3A_881 = arith.subf %min3A_877, %max3A_880 : vector<200x200xf32>
    %max3A_882 = arith.constant 0.000000e+00 : f32
    %max3A_883 = vector.broadcast %max3A_882 : f32 to vector<200x200xf32>
    %max3A_884 = arith.maximumf %sub3A_881, %max3A_883 : vector<200x200xf32>
    %mul3A_885 = arith.mulf %max3A_874, %max3A_884 : vector<200x200xf32>
    %sub3A_886 = arith.subf %slice3A_859, %slice3A_857 : vector<200x1xf32>
    %sub3A_887 = arith.subf %slice3A_860, %slice3A_858 : vector<200x1xf32>
    %mul3A_888 = arith.mulf %sub3A_886, %sub3A_887 : vector<200x1xf32>
    %sub3A_889 = arith.subf %slice3A_863, %slice3A_861 : vector<1x200xf32>
    %sub3A_890 = arith.subf %slice3A_864, %slice3A_862 : vector<1x200xf32>
    %mul3A_891 = arith.mulf %sub3A_889, %sub3A_890 : vector<1x200xf32>
    %add3A_892 = vector.broadcast %mul3A_888 : vector<200x1xf32> to vector<200x200xf32>
    %add3A_893 = vector.broadcast %mul3A_891 : vector<1x200xf32> to vector<200x200xf32>
    %add3A_894 = arith.addf %add3A_892, %add3A_893 : vector<200x200xf32>
    %sub3A_895 = arith.subf %add3A_894, %mul3A_885 : vector<200x200xf32>
    %max3A_896 = arith.constant 1.000000e-10 : f32
    %max3A_897 = vector.broadcast %max3A_896 : f32 to vector<200x200xf32>
    %max3A_898 = arith.maximumf %sub3A_895, %max3A_897 : vector<200x200xf32>
    %div3A_899 = arith.divf %mul3A_885, %max3A_898 : vector<200x200xf32>
    %swap3A_900 = arith.constant 0 : index
    %swap3A_901 = arith.constant 14 : index
    %swap3A_902 = arith.constant 0 : index
    %swap3A_903 = vector.load %arg6[%swap3A_900, %swap3A_901, %swap3A_902] : memref<200x20x200xf32, #tpu.memory_space<vmem>>, vector<200x1x200xf32>
    %swap3A_904 = vector.shape_cast %swap3A_903 : vector<200x1x200xf32> to vector<200x200xf32>
    %swap3A_905 = vector.shape_cast %div3A_899 : vector<200x200xf32> to vector<200x1x200xf32>
    tpu.vector_store %arg6[%swap3A_900, %swap3A_901, %swap3A_902], %swap3A_905 {strides = array<i32>} : memref<200x20x200xf32, #tpu.memory_space<vmem>>, vector<200x1x200xf32>,
    %get3A_906 = arith.constant 0 : index
    %get3A_907 = arith.constant 15 : index
    %get3A_908 = arith.constant 0 : index
    %get3A_909 = arith.constant 0 : index
    %get3A_910 = vector.load %arg1[%get3A_906, %get3A_907, %get3A_908, %get3A_909] : memref<1x20x200x4xf32, #tpu.memory_space<vmem>>, vector<1x1x200x4xf32>
    %get3A_911 = vector.shape_cast %get3A_910 : vector<1x1x200x4xf32> to vector<200x4xf32>
    %get3A_912 = arith.constant 0 : index
    %get3A_913 = arith.constant 15 : index
    %get3A_914 = arith.constant 0 : index
    %get3A_915 = arith.constant 0 : index
    %get3A_916 = vector.load %arg2[%get3A_912, %get3A_913, %get3A_914, %get3A_915] : memref<1x20x4x200xf32, #tpu.memory_space<vmem>>, vector<1x1x4x200xf32>
    %get3A_917 = vector.shape_cast %get3A_916 : vector<1x1x4x200xf32> to vector<4x200xf32>
    %slice3A_918 = vector.extract_strided_slice %get3A_911 {offsets = [0, 0], sizes = [200, 1], strides = [1, 1]} : vector<200x4xf32> to vector<200x1xf32>
    %slice3A_919 = vector.extract_strided_slice %get3A_911 {offsets = [0, 1], sizes = [200, 1], strides = [1, 1]} : vector<200x4xf32> to vector<200x1xf32>
    %slice3A_920 = vector.extract_strided_slice %get3A_911 {offsets = [0, 2], sizes = [200, 1], strides = [1, 1]} : vector<200x4xf32> to vector<200x1xf32>
    %slice3A_921 = vector.extract_strided_slice %get3A_911 {offsets = [0, 3], sizes = [200, 1], strides = [1, 1]} : vector<200x4xf32> to vector<200x1xf32>
    %slice3A_922 = vector.extract_strided_slice %get3A_917 {offsets = [0, 0], sizes = [1, 200], strides = [1, 1]} : vector<4x200xf32> to vector<1x200xf32>
    %slice3A_923 = vector.extract_strided_slice %get3A_917 {offsets = [1, 0], sizes = [1, 200], strides = [1, 1]} : vector<4x200xf32> to vector<1x200xf32>
    %slice3A_924 = vector.extract_strided_slice %get3A_917 {offsets = [2, 0], sizes = [1, 200], strides = [1, 1]} : vector<4x200xf32> to vector<1x200xf32>
    %slice3A_925 = vector.extract_strided_slice %get3A_917 {offsets = [3, 0], sizes = [1, 200], strides = [1, 1]} : vector<4x200xf32> to vector<1x200xf32>
    %min3A_926 = vector.broadcast %slice3A_920 : vector<200x1xf32> to vector<200x200xf32>
    %min3A_927 = vector.broadcast %slice3A_924 : vector<1x200xf32> to vector<200x200xf32>
    %min3A_928 = arith.minimumf %min3A_926, %min3A_927 : vector<200x200xf32>
    %max3A_929 = vector.broadcast %slice3A_918 : vector<200x1xf32> to vector<200x200xf32>
    %max3A_930 = vector.broadcast %slice3A_922 : vector<1x200xf32> to vector<200x200xf32>
    %max3A_931 = arith.maximumf %max3A_929, %max3A_930 : vector<200x200xf32>
    %sub3A_932 = arith.subf %min3A_928, %max3A_931 : vector<200x200xf32>
    %max3A_933 = arith.constant 0.000000e+00 : f32
    %max3A_934 = vector.broadcast %max3A_933 : f32 to vector<200x200xf32>
    %max3A_935 = arith.maximumf %sub3A_932, %max3A_934 : vector<200x200xf32>
    %min3A_936 = vector.broadcast %slice3A_921 : vector<200x1xf32> to vector<200x200xf32>
    %min3A_937 = vector.broadcast %slice3A_925 : vector<1x200xf32> to vector<200x200xf32>
    %min3A_938 = arith.minimumf %min3A_936, %min3A_937 : vector<200x200xf32>
    %max3A_939 = vector.broadcast %slice3A_919 : vector<200x1xf32> to vector<200x200xf32>
    %max3A_940 = vector.broadcast %slice3A_923 : vector<1x200xf32> to vector<200x200xf32>
    %max3A_941 = arith.maximumf %max3A_939, %max3A_940 : vector<200x200xf32>
    %sub3A_942 = arith.subf %min3A_938, %max3A_941 : vector<200x200xf32>
    %max3A_943 = arith.constant 0.000000e+00 : f32
    %max3A_944 = vector.broadcast %max3A_943 : f32 to vector<200x200xf32>
    %max3A_945 = arith.maximumf %sub3A_942, %max3A_944 : vector<200x200xf32>
    %mul3A_946 = arith.mulf %max3A_935, %max3A_945 : vector<200x200xf32>
    %sub3A_947 = arith.subf %slice3A_920, %slice3A_918 : vector<200x1xf32>
    %sub3A_948 = arith.subf %slice3A_921, %slice3A_919 : vector<200x1xf32>
    %mul3A_949 = arith.mulf %sub3A_947, %sub3A_948 : vector<200x1xf32>
    %sub3A_950 = arith.subf %slice3A_924, %slice3A_922 : vector<1x200xf32>
    %sub3A_951 = arith.subf %slice3A_925, %slice3A_923 : vector<1x200xf32>
    %mul3A_952 = arith.mulf %sub3A_950, %sub3A_951 : vector<1x200xf32>
    %add3A_953 = vector.broadcast %mul3A_949 : vector<200x1xf32> to vector<200x200xf32>
    %add3A_954 = vector.broadcast %mul3A_952 : vector<1x200xf32> to vector<200x200xf32>
    %add3A_955 = arith.addf %add3A_953, %add3A_954 : vector<200x200xf32>
    %sub3A_956 = arith.subf %add3A_955, %mul3A_946 : vector<200x200xf32>
    %max3A_957 = arith.constant 1.000000e-10 : f32
    %max3A_958 = vector.broadcast %max3A_957 : f32 to vector<200x200xf32>
    %max3A_959 = arith.maximumf %sub3A_956, %max3A_958 : vector<200x200xf32>
    %div3A_960 = arith.divf %mul3A_946, %max3A_959 : vector<200x200xf32>
    %swap3A_961 = arith.constant 0 : index
    %swap3A_962 = arith.constant 15 : index
    %swap3A_963 = arith.constant 0 : index
    %swap3A_964 = vector.load %arg6[%swap3A_961, %swap3A_962, %swap3A_963] : memref<200x20x200xf32, #tpu.memory_space<vmem>>, vector<200x1x200xf32>
    %swap3A_965 = vector.shape_cast %swap3A_964 : vector<200x1x200xf32> to vector<200x200xf32>
    %swap3A_966 = vector.shape_cast %div3A_960 : vector<200x200xf32> to vector<200x1x200xf32>
    tpu.vector_store %arg6[%swap3A_961, %swap3A_962, %swap3A_963], %swap3A_966 {strides = array<i32>} : memref<200x20x200xf32, #tpu.memory_space<vmem>>, vector<200x1x200xf32>,
    %get3A_967 = arith.constant 0 : index
    %get3A_968 = arith.constant 16 : index
    %get3A_969 = arith.constant 0 : index
    %get3A_970 = arith.constant 0 : index
    %get3A_971 = vector.load %arg1[%get3A_967, %get3A_968, %get3A_969, %get3A_970] : memref<1x20x200x4xf32, #tpu.memory_space<vmem>>, vector<1x1x200x4xf32>
    %get3A_972 = vector.shape_cast %get3A_971 : vector<1x1x200x4xf32> to vector<200x4xf32>
    %get3A_973 = arith.constant 0 : index
    %get3A_974 = arith.constant 16 : index
    %get3A_975 = arith.constant 0 : index
    %get3A_976 = arith.constant 0 : index
    %get3A_977 = vector.load %arg2[%get3A_973, %get3A_974, %get3A_975, %get3A_976] : memref<1x20x4x200xf32, #tpu.memory_space<vmem>>, vector<1x1x4x200xf32>
    %get3A_978 = vector.shape_cast %get3A_977 : vector<1x1x4x200xf32> to vector<4x200xf32>
    %slice3A_979 = vector.extract_strided_slice %get3A_972 {offsets = [0, 0], sizes = [200, 1], strides = [1, 1]} : vector<200x4xf32> to vector<200x1xf32>
    %slice3A_980 = vector.extract_strided_slice %get3A_972 {offsets = [0, 1], sizes = [200, 1], strides = [1, 1]} : vector<200x4xf32> to vector<200x1xf32>
    %slice3A_981 = vector.extract_strided_slice %get3A_972 {offsets = [0, 2], sizes = [200, 1], strides = [1, 1]} : vector<200x4xf32> to vector<200x1xf32>
    %slice3A_982 = vector.extract_strided_slice %get3A_972 {offsets = [0, 3], sizes = [200, 1], strides = [1, 1]} : vector<200x4xf32> to vector<200x1xf32>
    %slice3A_983 = vector.extract_strided_slice %get3A_978 {offsets = [0, 0], sizes = [1, 200], strides = [1, 1]} : vector<4x200xf32> to vector<1x200xf32>
    %slice3A_984 = vector.extract_strided_slice %get3A_978 {offsets = [1, 0], sizes = [1, 200], strides = [1, 1]} : vector<4x200xf32> to vector<1x200xf32>
    %slice3A_985 = vector.extract_strided_slice %get3A_978 {offsets = [2, 0], sizes = [1, 200], strides = [1, 1]} : vector<4x200xf32> to vector<1x200xf32>
    %slice3A_986 = vector.extract_strided_slice %get3A_978 {offsets = [3, 0], sizes = [1, 200], strides = [1, 1]} : vector<4x200xf32> to vector<1x200xf32>
    %min3A_987 = vector.broadcast %slice3A_981 : vector<200x1xf32> to vector<200x200xf32>
    %min3A_988 = vector.broadcast %slice3A_985 : vector<1x200xf32> to vector<200x200xf32>
    %min3A_989 = arith.minimumf %min3A_987, %min3A_988 : vector<200x200xf32>
    %max3A_990 = vector.broadcast %slice3A_979 : vector<200x1xf32> to vector<200x200xf32>
    %max3A_991 = vector.broadcast %slice3A_983 : vector<1x200xf32> to vector<200x200xf32>
    %max3A_992 = arith.maximumf %max3A_990, %max3A_991 : vector<200x200xf32>
    %sub3A_993 = arith.subf %min3A_989, %max3A_992 : vector<200x200xf32>
    %max3A_994 = arith.constant 0.000000e+00 : f32
    %max3A_995 = vector.broadcast %max3A_994 : f32 to vector<200x200xf32>
    %max3A_996 = arith.maximumf %sub3A_993, %max3A_995 : vector<200x200xf32>
    %min3A_997 = vector.broadcast %slice3A_982 : vector<200x1xf32> to vector<200x200xf32>
    %min3A_998 = vector.broadcast %slice3A_986 : vector<1x200xf32> to vector<200x200xf32>
    %min3A_999 = arith.minimumf %min3A_997, %min3A_998 : vector<200x200xf32>
    %max3A_1000 = vector.broadcast %slice3A_980 : vector<200x1xf32> to vector<200x200xf32>
    %max3A_1001 = vector.broadcast %slice3A_984 : vector<1x200xf32> to vector<200x200xf32>
    %max3A_1002 = arith.maximumf %max3A_1000, %max3A_1001 : vector<200x200xf32>
    %sub3A_1003 = arith.subf %min3A_999, %max3A_1002 : vector<200x200xf32>
    %max3A_1004 = arith.constant 0.000000e+00 : f32
    %max3A_1005 = vector.broadcast %max3A_1004 : f32 to vector<200x200xf32>
    %max3A_1006 = arith.maximumf %sub3A_1003, %max3A_1005 : vector<200x200xf32>
    %mul3A_1007 = arith.mulf %max3A_996, %max3A_1006 : vector<200x200xf32>
    %sub3A_1008 = arith.subf %slice3A_981, %slice3A_979 : vector<200x1xf32>
    %sub3A_1009 = arith.subf %slice3A_982, %slice3A_980 : vector<200x1xf32>
    %mul3A_1010 = arith.mulf %sub3A_1008, %sub3A_1009 : vector<200x1xf32>
    %sub3A_1011 = arith.subf %slice3A_985, %slice3A_983 : vector<1x200xf32>
    %sub3A_1012 = arith.subf %slice3A_986, %slice3A_984 : vector<1x200xf32>
    %mul3A_1013 = arith.mulf %sub3A_1011, %sub3A_1012 : vector<1x200xf32>
    %add3A_1014 = vector.broadcast %mul3A_1010 : vector<200x1xf32> to vector<200x200xf32>
    %add3A_1015 = vector.broadcast %mul3A_1013 : vector<1x200xf32> to vector<200x200xf32>
    %add3A_1016 = arith.addf %add3A_1014, %add3A_1015 : vector<200x200xf32>
    %sub3A_1017 = arith.subf %add3A_1016, %mul3A_1007 : vector<200x200xf32>
    %max3A_1018 = arith.constant 1.000000e-10 : f32
    %max3A_1019 = vector.broadcast %max3A_1018 : f32 to vector<200x200xf32>
    %max3A_1020 = arith.maximumf %sub3A_1017, %max3A_1019 : vector<200x200xf32>
    %div3A_1021 = arith.divf %mul3A_1007, %max3A_1020 : vector<200x200xf32>
    %swap3A_1022 = arith.constant 0 : index
    %swap3A_1023 = arith.constant 16 : index
    %swap3A_1024 = arith.constant 0 : index
    %swap3A_1025 = vector.load %arg6[%swap3A_1022, %swap3A_1023, %swap3A_1024] : memref<200x20x200xf32, #tpu.memory_space<vmem>>, vector<200x1x200xf32>
    %swap3A_1026 = vector.shape_cast %swap3A_1025 : vector<200x1x200xf32> to vector<200x200xf32>
    %swap3A_1027 = vector.shape_cast %div3A_1021 : vector<200x200xf32> to vector<200x1x200xf32>
    tpu.vector_store %arg6[%swap3A_1022, %swap3A_1023, %swap3A_1024], %swap3A_1027 {strides = array<i32>} : memref<200x20x200xf32, #tpu.memory_space<vmem>>, vector<200x1x200xf32>,
    %get3A_1028 = arith.constant 0 : index
    %get3A_1029 = arith.constant 17 : index
    %get3A_1030 = arith.constant 0 : index
    %get3A_1031 = arith.constant 0 : index
    %get3A_1032 = vector.load %arg1[%get3A_1028, %get3A_1029, %get3A_1030, %get3A_1031] : memref<1x20x200x4xf32, #tpu.memory_space<vmem>>, vector<1x1x200x4xf32>
    %get3A_1033 = vector.shape_cast %get3A_1032 : vector<1x1x200x4xf32> to vector<200x4xf32>
    %get3A_1034 = arith.constant 0 : index
    %get3A_1035 = arith.constant 17 : index
    %get3A_1036 = arith.constant 0 : index
    %get3A_1037 = arith.constant 0 : index
    %get3A_1038 = vector.load %arg2[%get3A_1034, %get3A_1035, %get3A_1036, %get3A_1037] : memref<1x20x4x200xf32, #tpu.memory_space<vmem>>, vector<1x1x4x200xf32>
    %get3A_1039 = vector.shape_cast %get3A_1038 : vector<1x1x4x200xf32> to vector<4x200xf32>
    %slice3A_1040 = vector.extract_strided_slice %get3A_1033 {offsets = [0, 0], sizes = [200, 1], strides = [1, 1]} : vector<200x4xf32> to vector<200x1xf32>
    %slice3A_1041 = vector.extract_strided_slice %get3A_1033 {offsets = [0, 1], sizes = [200, 1], strides = [1, 1]} : vector<200x4xf32> to vector<200x1xf32>
    %slice3A_1042 = vector.extract_strided_slice %get3A_1033 {offsets = [0, 2], sizes = [200, 1], strides = [1, 1]} : vector<200x4xf32> to vector<200x1xf32>
    %slice3A_1043 = vector.extract_strided_slice %get3A_1033 {offsets = [0, 3], sizes = [200, 1], strides = [1, 1]} : vector<200x4xf32> to vector<200x1xf32>
    %slice3A_1044 = vector.extract_strided_slice %get3A_1039 {offsets = [0, 0], sizes = [1, 200], strides = [1, 1]} : vector<4x200xf32> to vector<1x200xf32>
    %slice3A_1045 = vector.extract_strided_slice %get3A_1039 {offsets = [1, 0], sizes = [1, 200], strides = [1, 1]} : vector<4x200xf32> to vector<1x200xf32>
    %slice3A_1046 = vector.extract_strided_slice %get3A_1039 {offsets = [2, 0], sizes = [1, 200], strides = [1, 1]} : vector<4x200xf32> to vector<1x200xf32>
    %slice3A_1047 = vector.extract_strided_slice %get3A_1039 {offsets = [3, 0], sizes = [1, 200], strides = [1, 1]} : vector<4x200xf32> to vector<1x200xf32>
    %min3A_1048 = vector.broadcast %slice3A_1042 : vector<200x1xf32> to vector<200x200xf32>
    %min3A_1049 = vector.broadcast %slice3A_1046 : vector<1x200xf32> to vector<200x200xf32>
    %min3A_1050 = arith.minimumf %min3A_1048, %min3A_1049 : vector<200x200xf32>
    %max3A_1051 = vector.broadcast %slice3A_1040 : vector<200x1xf32> to vector<200x200xf32>
    %max3A_1052 = vector.broadcast %slice3A_1044 : vector<1x200xf32> to vector<200x200xf32>
    %max3A_1053 = arith.maximumf %max3A_1051, %max3A_1052 : vector<200x200xf32>
    %sub3A_1054 = arith.subf %min3A_1050, %max3A_1053 : vector<200x200xf32>
    %max3A_1055 = arith.constant 0.000000e+00 : f32
    %max3A_1056 = vector.broadcast %max3A_1055 : f32 to vector<200x200xf32>
    %max3A_1057 = arith.maximumf %sub3A_1054, %max3A_1056 : vector<200x200xf32>
    %min3A_1058 = vector.broadcast %slice3A_1043 : vector<200x1xf32> to vector<200x200xf32>
    %min3A_1059 = vector.broadcast %slice3A_1047 : vector<1x200xf32> to vector<200x200xf32>
    %min3A_1060 = arith.minimumf %min3A_1058, %min3A_1059 : vector<200x200xf32>
    %max3A_1061 = vector.broadcast %slice3A_1041 : vector<200x1xf32> to vector<200x200xf32>
    %max3A_1062 = vector.broadcast %slice3A_1045 : vector<1x200xf32> to vector<200x200xf32>
    %max3A_1063 = arith.maximumf %max3A_1061, %max3A_1062 : vector<200x200xf32>
    %sub3A_1064 = arith.subf %min3A_1060, %max3A_1063 : vector<200x200xf32>
    %max3A_1065 = arith.constant 0.000000e+00 : f32
    %max3A_1066 = vector.broadcast %max3A_1065 : f32 to vector<200x200xf32>
    %max3A_1067 = arith.maximumf %sub3A_1064, %max3A_1066 : vector<200x200xf32>
    %mul3A_1068 = arith.mulf %max3A_1057, %max3A_1067 : vector<200x200xf32>
    %sub3A_1069 = arith.subf %slice3A_1042, %slice3A_1040 : vector<200x1xf32>
    %sub3A_1070 = arith.subf %slice3A_1043, %slice3A_1041 : vector<200x1xf32>
    %mul3A_1071 = arith.mulf %sub3A_1069, %sub3A_1070 : vector<200x1xf32>
    %sub3A_1072 = arith.subf %slice3A_1046, %slice3A_1044 : vector<1x200xf32>
    %sub3A_1073 = arith.subf %slice3A_1047, %slice3A_1045 : vector<1x200xf32>
    %mul3A_1074 = arith.mulf %sub3A_1072, %sub3A_1073 : vector<1x200xf32>
    %add3A_1075 = vector.broadcast %mul3A_1071 : vector<200x1xf32> to vector<200x200xf32>
    %add3A_1076 = vector.broadcast %mul3A_1074 : vector<1x200xf32> to vector<200x200xf32>
    %add3A_1077 = arith.addf %add3A_1075, %add3A_1076 : vector<200x200xf32>
    %sub3A_1078 = arith.subf %add3A_1077, %mul3A_1068 : vector<200x200xf32>
    %max3A_1079 = arith.constant 1.000000e-10 : f32
    %max3A_1080 = vector.broadcast %max3A_1079 : f32 to vector<200x200xf32>
    %max3A_1081 = arith.maximumf %sub3A_1078, %max3A_1080 : vector<200x200xf32>
    %div3A_1082 = arith.divf %mul3A_1068, %max3A_1081 : vector<200x200xf32>
    %swap3A_1083 = arith.constant 0 : index
    %swap3A_1084 = arith.constant 17 : index
    %swap3A_1085 = arith.constant 0 : index
    %swap3A_1086 = vector.load %arg6[%swap3A_1083, %swap3A_1084, %swap3A_1085] : memref<200x20x200xf32, #tpu.memory_space<vmem>>, vector<200x1x200xf32>
    %swap3A_1087 = vector.shape_cast %swap3A_1086 : vector<200x1x200xf32> to vector<200x200xf32>
    %swap3A_1088 = vector.shape_cast %div3A_1082 : vector<200x200xf32> to vector<200x1x200xf32>
    tpu.vector_store %arg6[%swap3A_1083, %swap3A_1084, %swap3A_1085], %swap3A_1088 {strides = array<i32>} : memref<200x20x200xf32, #tpu.memory_space<vmem>>, vector<200x1x200xf32>,
    %get3A_1089 = arith.constant 0 : index
    %get3A_1090 = arith.constant 18 : index
    %get3A_1091 = arith.constant 0 : index
    %get3A_1092 = arith.constant 0 : index
    %get3A_1093 = vector.load %arg1[%get3A_1089, %get3A_1090, %get3A_1091, %get3A_1092] : memref<1x20x200x4xf32, #tpu.memory_space<vmem>>, vector<1x1x200x4xf32>
    %get3A_1094 = vector.shape_cast %get3A_1093 : vector<1x1x200x4xf32> to vector<200x4xf32>
    %get3A_1095 = arith.constant 0 : index
    %get3A_1096 = arith.constant 18 : index
    %get3A_1097 = arith.constant 0 : index
    %get3A_1098 = arith.constant 0 : index
    %get3A_1099 = vector.load %arg2[%get3A_1095, %get3A_1096, %get3A_1097, %get3A_1098] : memref<1x20x4x200xf32, #tpu.memory_space<vmem>>, vector<1x1x4x200xf32>
    %get3A_1100 = vector.shape_cast %get3A_1099 : vector<1x1x4x200xf32> to vector<4x200xf32>
    %slice3A_1101 = vector.extract_strided_slice %get3A_1094 {offsets = [0, 0], sizes = [200, 1], strides = [1, 1]} : vector<200x4xf32> to vector<200x1xf32>
    %slice3A_1102 = vector.extract_strided_slice %get3A_1094 {offsets = [0, 1], sizes = [200, 1], strides = [1, 1]} : vector<200x4xf32> to vector<200x1xf32>
    %slice3A_1103 = vector.extract_strided_slice %get3A_1094 {offsets = [0, 2], sizes = [200, 1], strides = [1, 1]} : vector<200x4xf32> to vector<200x1xf32>
    %slice3A_1104 = vector.extract_strided_slice %get3A_1094 {offsets = [0, 3], sizes = [200, 1], strides = [1, 1]} : vector<200x4xf32> to vector<200x1xf32>
    %slice3A_1105 = vector.extract_strided_slice %get3A_1100 {offsets = [0, 0], sizes = [1, 200], strides = [1, 1]} : vector<4x200xf32> to vector<1x200xf32>
    %slice3A_1106 = vector.extract_strided_slice %get3A_1100 {offsets = [1, 0], sizes = [1, 200], strides = [1, 1]} : vector<4x200xf32> to vector<1x200xf32>
    %slice3A_1107 = vector.extract_strided_slice %get3A_1100 {offsets = [2, 0], sizes = [1, 200], strides = [1, 1]} : vector<4x200xf32> to vector<1x200xf32>
    %slice3A_1108 = vector.extract_strided_slice %get3A_1100 {offsets = [3, 0], sizes = [1, 200], strides = [1, 1]} : vector<4x200xf32> to vector<1x200xf32>
    %min3A_1109 = vector.broadcast %slice3A_1103 : vector<200x1xf32> to vector<200x200xf32>
    %min3A_1110 = vector.broadcast %slice3A_1107 : vector<1x200xf32> to vector<200x200xf32>
    %min3A_1111 = arith.minimumf %min3A_1109, %min3A_1110 : vector<200x200xf32>
    %max3A_1112 = vector.broadcast %slice3A_1101 : vector<200x1xf32> to vector<200x200xf32>
    %max3A_1113 = vector.broadcast %slice3A_1105 : vector<1x200xf32> to vector<200x200xf32>
    %max3A_1114 = arith.maximumf %max3A_1112, %max3A_1113 : vector<200x200xf32>
    %sub3A_1115 = arith.subf %min3A_1111, %max3A_1114 : vector<200x200xf32>
    %max3A_1116 = arith.constant 0.000000e+00 : f32
    %max3A_1117 = vector.broadcast %max3A_1116 : f32 to vector<200x200xf32>
    %max3A_1118 = arith.maximumf %sub3A_1115, %max3A_1117 : vector<200x200xf32>
    %min3A_1119 = vector.broadcast %slice3A_1104 : vector<200x1xf32> to vector<200x200xf32>
    %min3A_1120 = vector.broadcast %slice3A_1108 : vector<1x200xf32> to vector<200x200xf32>
    %min3A_1121 = arith.minimumf %min3A_1119, %min3A_1120 : vector<200x200xf32>
    %max3A_1122 = vector.broadcast %slice3A_1102 : vector<200x1xf32> to vector<200x200xf32>
    %max3A_1123 = vector.broadcast %slice3A_1106 : vector<1x200xf32> to vector<200x200xf32>
    %max3A_1124 = arith.maximumf %max3A_1122, %max3A_1123 : vector<200x200xf32>
    %sub3A_1125 = arith.subf %min3A_1121, %max3A_1124 : vector<200x200xf32>
    %max3A_1126 = arith.constant 0.000000e+00 : f32
    %max3A_1127 = vector.broadcast %max3A_1126 : f32 to vector<200x200xf32>
    %max3A_1128 = arith.maximumf %sub3A_1125, %max3A_1127 : vector<200x200xf32>
    %mul3A_1129 = arith.mulf %max3A_1118, %max3A_1128 : vector<200x200xf32>
    %sub3A_1130 = arith.subf %slice3A_1103, %slice3A_1101 : vector<200x1xf32>
    %sub3A_1131 = arith.subf %slice3A_1104, %slice3A_1102 : vector<200x1xf32>
    %mul3A_1132 = arith.mulf %sub3A_1130, %sub3A_1131 : vector<200x1xf32>
    %sub3A_1133 = arith.subf %slice3A_1107, %slice3A_1105 : vector<1x200xf32>
    %sub3A_1134 = arith.subf %slice3A_1108, %slice3A_1106 : vector<1x200xf32>
    %mul3A_1135 = arith.mulf %sub3A_1133, %sub3A_1134 : vector<1x200xf32>
    %add3A_1136 = vector.broadcast %mul3A_1132 : vector<200x1xf32> to vector<200x200xf32>
    %add3A_1137 = vector.broadcast %mul3A_1135 : vector<1x200xf32> to vector<200x200xf32>
    %add3A_1138 = arith.addf %add3A_1136, %add3A_1137 : vector<200x200xf32>
    %sub3A_1139 = arith.subf %add3A_1138, %mul3A_1129 : vector<200x200xf32>
    %max3A_1140 = arith.constant 1.000000e-10 : f32
    %max3A_1141 = vector.broadcast %max3A_1140 : f32 to vector<200x200xf32>
    %max3A_1142 = arith.maximumf %sub3A_1139, %max3A_1141 : vector<200x200xf32>
    %div3A_1143 = arith.divf %mul3A_1129, %max3A_1142 : vector<200x200xf32>
    %swap3A_1144 = arith.constant 0 : index
    %swap3A_1145 = arith.constant 18 : index
    %swap3A_1146 = arith.constant 0 : index
    %swap3A_1147 = vector.load %arg6[%swap3A_1144, %swap3A_1145, %swap3A_1146] : memref<200x20x200xf32, #tpu.memory_space<vmem>>, vector<200x1x200xf32>
    %swap3A_1148 = vector.shape_cast %swap3A_1147 : vector<200x1x200xf32> to vector<200x200xf32>
    %swap3A_1149 = vector.shape_cast %div3A_1143 : vector<200x200xf32> to vector<200x1x200xf32>
    tpu.vector_store %arg6[%swap3A_1144, %swap3A_1145, %swap3A_1146], %swap3A_1149 {strides = array<i32>} : memref<200x20x200xf32, #tpu.memory_space<vmem>>, vector<200x1x200xf32>,
    %get3A_1150 = arith.constant 0 : index
    %get3A_1151 = arith.constant 19 : index
    %get3A_1152 = arith.constant 0 : index
    %get3A_1153 = arith.constant 0 : index
    %get3A_1154 = vector.load %arg1[%get3A_1150, %get3A_1151, %get3A_1152, %get3A_1153] : memref<1x20x200x4xf32, #tpu.memory_space<vmem>>, vector<1x1x200x4xf32>
    %get3A_1155 = vector.shape_cast %get3A_1154 : vector<1x1x200x4xf32> to vector<200x4xf32>
    %get3A_1156 = arith.constant 0 : index
    %get3A_1157 = arith.constant 19 : index
    %get3A_1158 = arith.constant 0 : index
    %get3A_1159 = arith.constant 0 : index
    %get3A_1160 = vector.load %arg2[%get3A_1156, %get3A_1157, %get3A_1158, %get3A_1159] : memref<1x20x4x200xf32, #tpu.memory_space<vmem>>, vector<1x1x4x200xf32>
    %get3A_1161 = vector.shape_cast %get3A_1160 : vector<1x1x4x200xf32> to vector<4x200xf32>
    %slice3A_1162 = vector.extract_strided_slice %get3A_1155 {offsets = [0, 0], sizes = [200, 1], strides = [1, 1]} : vector<200x4xf32> to vector<200x1xf32>
    %slice3A_1163 = vector.extract_strided_slice %get3A_1155 {offsets = [0, 1], sizes = [200, 1], strides = [1, 1]} : vector<200x4xf32> to vector<200x1xf32>
    %slice3A_1164 = vector.extract_strided_slice %get3A_1155 {offsets = [0, 2], sizes = [200, 1], strides = [1, 1]} : vector<200x4xf32> to vector<200x1xf32>
    %slice3A_1165 = vector.extract_strided_slice %get3A_1155 {offsets = [0, 3], sizes = [200, 1], strides = [1, 1]} : vector<200x4xf32> to vector<200x1xf32>
    %slice3A_1166 = vector.extract_strided_slice %get3A_1161 {offsets = [0, 0], sizes = [1, 200], strides = [1, 1]} : vector<4x200xf32> to vector<1x200xf32>
    %slice3A_1167 = vector.extract_strided_slice %get3A_1161 {offsets = [1, 0], sizes = [1, 200], strides = [1, 1]} : vector<4x200xf32> to vector<1x200xf32>
    %slice3A_1168 = vector.extract_strided_slice %get3A_1161 {offsets = [2, 0], sizes = [1, 200], strides = [1, 1]} : vector<4x200xf32> to vector<1x200xf32>
    %slice3A_1169 = vector.extract_strided_slice %get3A_1161 {offsets = [3, 0], sizes = [1, 200], strides = [1, 1]} : vector<4x200xf32> to vector<1x200xf32>
    %min3A_1170 = vector.broadcast %slice3A_1164 : vector<200x1xf32> to vector<200x200xf32>
    %min3A_1171 = vector.broadcast %slice3A_1168 : vector<1x200xf32> to vector<200x200xf32>
    %min3A_1172 = arith.minimumf %min3A_1170, %min3A_1171 : vector<200x200xf32>
    %max3A_1173 = vector.broadcast %slice3A_1162 : vector<200x1xf32> to vector<200x200xf32>
    %max3A_1174 = vector.broadcast %slice3A_1166 : vector<1x200xf32> to vector<200x200xf32>
    %max3A_1175 = arith.maximumf %max3A_1173, %max3A_1174 : vector<200x200xf32>
    %sub3A_1176 = arith.subf %min3A_1172, %max3A_1175 : vector<200x200xf32>
    %max3A_1177 = arith.constant 0.000000e+00 : f32
    %max3A_1178 = vector.broadcast %max3A_1177 : f32 to vector<200x200xf32>
    %max3A_1179 = arith.maximumf %sub3A_1176, %max3A_1178 : vector<200x200xf32>
    %min3A_1180 = vector.broadcast %slice3A_1165 : vector<200x1xf32> to vector<200x200xf32>
    %min3A_1181 = vector.broadcast %slice3A_1169 : vector<1x200xf32> to vector<200x200xf32>
    %min3A_1182 = arith.minimumf %min3A_1180, %min3A_1181 : vector<200x200xf32>
    %max3A_1183 = vector.broadcast %slice3A_1163 : vector<200x1xf32> to vector<200x200xf32>
    %max3A_1184 = vector.broadcast %slice3A_1167 : vector<1x200xf32> to vector<200x200xf32>
    %max3A_1185 = arith.maximumf %max3A_1183, %max3A_1184 : vector<200x200xf32>
    %sub3A_1186 = arith.subf %min3A_1182, %max3A_1185 : vector<200x200xf32>
    %max3A_1187 = arith.constant 0.000000e+00 : f32
    %max3A_1188 = vector.broadcast %max3A_1187 : f32 to vector<200x200xf32>
    %max3A_1189 = arith.maximumf %sub3A_1186, %max3A_1188 : vector<200x200xf32>
    %mul3A_1190 = arith.mulf %max3A_1179, %max3A_1189 : vector<200x200xf32>
    %sub3A_1191 = arith.subf %slice3A_1164, %slice3A_1162 : vector<200x1xf32>
    %sub3A_1192 = arith.subf %slice3A_1165, %slice3A_1163 : vector<200x1xf32>
    %mul3A_1193 = arith.mulf %sub3A_1191, %sub3A_1192 : vector<200x1xf32>
    %sub3A_1194 = arith.subf %slice3A_1168, %slice3A_1166 : vector<1x200xf32>
    %sub3A_1195 = arith.subf %slice3A_1169, %slice3A_1167 : vector<1x200xf32>
    %mul3A_1196 = arith.mulf %sub3A_1194, %sub3A_1195 : vector<1x200xf32>
    %add3A_1197 = vector.broadcast %mul3A_1193 : vector<200x1xf32> to vector<200x200xf32>
    %add3A_1198 = vector.broadcast %mul3A_1196 : vector<1x200xf32> to vector<200x200xf32>
    %add3A_1199 = arith.addf %add3A_1197, %add3A_1198 : vector<200x200xf32>
    %sub3A_1200 = arith.subf %add3A_1199, %mul3A_1190 : vector<200x200xf32>
    %max3A_1201 = arith.constant 1.000000e-10 : f32
    %max3A_1202 = vector.broadcast %max3A_1201 : f32 to vector<200x200xf32>
    %max3A_1203 = arith.maximumf %sub3A_1200, %max3A_1202 : vector<200x200xf32>
    %div3A_1204 = arith.divf %mul3A_1190, %max3A_1203 : vector<200x200xf32>
    %swap3A_1205 = arith.constant 0 : index
    %swap3A_1206 = arith.constant 19 : index
    %swap3A_1207 = arith.constant 0 : index
    %swap3A_1208 = vector.load %arg6[%swap3A_1205, %swap3A_1206, %swap3A_1207] : memref<200x20x200xf32, #tpu.memory_space<vmem>>, vector<200x1x200xf32>
    %swap3A_1209 = vector.shape_cast %swap3A_1208 : vector<200x1x200xf32> to vector<200x200xf32>
    %swap3A_1210 = vector.shape_cast %div3A_1204 : vector<200x200xf32> to vector<200x1x200xf32>
    tpu.vector_store %arg6[%swap3A_1205, %swap3A_1206, %swap3A_1207], %swap3A_1210 {strides = array<i32>} : memref<200x20x200xf32, #tpu.memory_space<vmem>>, vector<200x1x200xf32>,
    %iota3A = tpu.iota {dimensions = array<i32: 1>} : vector<20x200xi32>
    %broadcast_in_dim3A = arith.constant 0.000000e+00 : f32
    %broadcast_in_dim3A_1211 = vector.broadcast %broadcast_in_dim3A : f32 to vector<20x200xf32>
    %scan3A = arith.constant 0 : i32
    %scan3A_1212 = arith.constant 200 : i32
    %scan3A_1213 = arith.addi %scan3A, %scan3A_1212 : i32
    %scan3A_1214 = arith.constant 1 : i32
    %scan3A_1215 = scf.for %scan3A_1254 = %scan3A to %scan3A_1213 step %scan3A_1214 iter_args(%scan3A_1255 = %broadcast_in_dim3A_1211) -> (vector<20x200xf32>)  : i32 {
      %get3A_1256 = arith.index_cast %scan3A_1254 : i32 to index
      %get3A_1257 = arith.constant 0 : index
      %get3A_1258 = arith.constant 0 : index
      %get3A_1259 = vector.load %arg6[%get3A_1256, %get3A_1257, %get3A_1258] : memref<200x20x200xf32, #tpu.memory_space<vmem>>, vector<1x20x200xf32>
      %squeeze3A = vector.shape_cast %get3A_1259 : vector<1x20x200xf32> to vector<20x200xf32>
      %gt3A_1260 = arith.constant 4.500000e-01 : f32
      %gt3A_1261 = vector.broadcast %gt3A_1260 : f32 to vector<20x200xf32>
      %gt3A_1262 = arith.cmpf ogt, %squeeze3A, %gt3A_1261 : vector<20x200xf32>
      %jit3A_1263 = arith.constant 1.000000e+00 : f32
      %jit3A_1264 = arith.constant 0.000000e+00 : f32
      %broadcast_in_dim3A_1265 = vector.broadcast %jit3A_1263 : f32 to vector<20x200xf32>
      %broadcast_in_dim3A_1266 = vector.broadcast %jit3A_1264 : f32 to vector<20x200xf32>
      %select_n3A_1267 = arith.select %gt3A_1262, %broadcast_in_dim3A_1265, %broadcast_in_dim3A_1266 : vector<20x200xi1>, vector<20x200xf32>
      %eq3A = vector.broadcast %scan3A_1254 : i32 to vector<20x200xi32>
      %eq3A_1268 = arith.cmpi eq, %iota3A, %eq3A : vector<20x200xi32>
      %jit3A_1269 = arith.constant 0.000000e+00 : f32
      %jit3A_1270 = arith.constant 1.000000e+00 : f32
      %broadcast_in_dim3A_1271 = vector.broadcast %jit3A_1269 : f32 to vector<20x200xf32>
      %broadcast_in_dim3A_1272 = vector.broadcast %jit3A_1270 : f32 to vector<20x200xf32>
      %select_n3A_1273 = arith.select %eq3A_1268, %broadcast_in_dim3A_1271, %broadcast_in_dim3A_1272 : vector<20x200xi1>, vector<20x200xf32>
      %add3A_1274 = arith.addf %scan3A_1255, %select_n3A_1267 : vector<20x200xf32>
      %min3A_1275 = arith.constant 1.000000e+00 : f32
      %min3A_1276 = vector.broadcast %min3A_1275 : f32 to vector<20x200xf32>
      %min3A_1277 = arith.minimumf %add3A_1274, %min3A_1276 : vector<20x200xf32>
      %mul3A_1278 = arith.mulf %min3A_1277, %select_n3A_1273 : vector<20x200xf32>
      %sub3A_1279 = arith.constant 1.000000e+00 : f32
      %sub3A_1280 = vector.broadcast %sub3A_1279 : f32 to vector<20x200xf32>
      %sub3A_1281 = arith.subf %sub3A_1280, %select_n3A_1273 : vector<20x200xf32>
      %mul3A_1282 = arith.mulf %scan3A_1255, %sub3A_1281 : vector<20x200xf32>
      %reduce_max3A = arith.constant dense<0xFF800000> : vector<20xf32>
      %reduce_max3A_1283 = vector.multi_reduction <maximumf>, %mul3A_1282, %reduce_max3A [1] : vector<20x200xf32> to vector<20xf32>
      %broadcast_in_dim3A_1284 = vector.shape_cast %reduce_max3A_1283 : vector<20xf32> to vector<20x1xf32>
      %mul3A_1285 = vector.broadcast %broadcast_in_dim3A_1284 : vector<20x1xf32> to vector<20x200xf32>
      %mul3A_1286 = arith.mulf %mul3A_1285, %scan3A_1255 : vector<20x200xf32>
      %sub3A_1287 = arith.constant 1.000000e+00 : f32
      %sub3A_1288 = vector.broadcast %sub3A_1287 : f32 to vector<20x1xf32>
      %sub3A_1289 = arith.subf %sub3A_1288, %broadcast_in_dim3A_1284 : vector<20x1xf32>
      %mul3A_1290 = vector.broadcast %sub3A_1289 : vector<20x1xf32> to vector<20x200xf32>
      %mul3A_1291 = arith.mulf %mul3A_1290, %mul3A_1278 : vector<20x200xf32>
      %add3A_1292 = arith.addf %mul3A_1286, %mul3A_1291 : vector<20x200xf32>
      scf.yield %add3A_1292 : vector<20x200xf32>
    }
    %scan3A_1216 = arith.constant 200 : i32
    %get3A_1217 = arith.constant 0 : index
    %get3A_1218 = arith.constant 0 : index
    %get3A_1219 = arith.constant 0 : index
    %get3A_1220 = vector.load %arg3[%get3A_1217, %get3A_1218, %get3A_1219] : memref<1x20x200xf32, #tpu.memory_space<vmem>>, vector<1x20x200xf32>
    %get3A_1221 = vector.shape_cast %get3A_1220 : vector<1x20x200xf32> to vector<20x200xf32>
    %sub3A_1222 = arith.constant 1.000000e+00 : f32
    %sub3A_1223 = vector.broadcast %sub3A_1222 : f32 to vector<20x200xf32>
    %sub3A_1224 = arith.subf %sub3A_1223, %scan3A_1215 : vector<20x200xf32>
    %gt3A = arith.constant 0.00999999977 : f32
    %gt3A_1225 = vector.broadcast %gt3A : f32 to vector<20x200xf32>
    %gt3A_1226 = arith.cmpf ogt, %get3A_1221, %gt3A_1225 : vector<20x200xf32>
    %jit3A = arith.constant 1.000000e+00 : f32
    %jit3A_1227 = arith.constant 0.000000e+00 : f32
    %broadcast_in_dim3A_1228 = vector.broadcast %jit3A : f32 to vector<20x200xf32>
    %broadcast_in_dim3A_1229 = vector.broadcast %jit3A_1227 : f32 to vector<20x200xf32>
    %select_n3A = arith.select %gt3A_1226, %broadcast_in_dim3A_1228, %broadcast_in_dim3A_1229 : vector<20x200xi1>, vector<20x200xf32>
    %mul3A_1230 = arith.mulf %sub3A_1224, %select_n3A : vector<20x200xf32>
    %mul3A_1231 = arith.mulf %get3A_1221, %mul3A_1230 : vector<20x200xf32>
    %swap3A_1232 = arith.constant 0 : index
    %swap3A_1233 = arith.constant 0 : index
    %swap3A_1234 = arith.constant 0 : index
    %swap3A_1235 = vector.load %arg4[%swap3A_1232, %swap3A_1233, %swap3A_1234] : memref<1x20x200xf32, #tpu.memory_space<vmem>>, vector<1x20x200xf32>
    %swap3A_1236 = vector.shape_cast %swap3A_1235 : vector<1x20x200xf32> to vector<20x200xf32>
    %swap3A_1237 = vector.shape_cast %mul3A_1231 : vector<20x200xf32> to vector<1x20x200xf32>
    tpu.vector_store %arg4[%swap3A_1232, %swap3A_1233, %swap3A_1234], %swap3A_1237 {strides = array<i32>} : memref<1x20x200xf32, #tpu.memory_space<vmem>>, vector<1x20x200xf32>,
    %get3A_1238 = arith.constant 0 : index
    %get3A_1239 = arith.constant 0 : index
    %get3A_1240 = arith.constant 0 : index
    %get3A_1241 = arith.constant 0 : index
    %get3A_1242 = vector.load %arg1[%get3A_1238, %get3A_1239, %get3A_1240, %get3A_1241] : memref<1x20x200x4xf32, #tpu.memory_space<vmem>>, vector<1x20x200x4xf32>
    %get3A_1243 = vector.shape_cast %get3A_1242 : vector<1x20x200x4xf32> to vector<20x200x4xf32>
    %broadcast_in_dim3A_1244 = vector.shape_cast %mul3A_1230 : vector<20x200xf32> to vector<20x200x1xf32>
    %mul3A_1245 = vector.broadcast %broadcast_in_dim3A_1244 : vector<20x200x1xf32> to vector<20x200x4xf32>
    %mul3A_1246 = arith.mulf %get3A_1243, %mul3A_1245 : vector<20x200x4xf32>
    %swap3A_1247 = arith.constant 0 : index
    %swap3A_1248 = arith.constant 0 : index
    %swap3A_1249 = arith.constant 0 : index
    %swap3A_1250 = arith.constant 0 : index
    %swap3A_1251 = vector.load %arg5[%swap3A_1247, %swap3A_1248, %swap3A_1249, %swap3A_1250] : memref<1x20x200x4xf32, #tpu.memory_space<vmem>>, vector<1x20x200x4xf32>
    %swap3A_1252 = vector.shape_cast %swap3A_1251 : vector<1x20x200x4xf32> to vector<20x200x4xf32>
    %swap3A_1253 = vector.shape_cast %mul3A_1246 : vector<20x200x4xf32> to vector<1x20x200x4xf32>
    tpu.vector_store %arg5[%swap3A_1247, %swap3A_1248, %swap3A_1249, %swap3A_1250], %swap3A_1253 {strides = array<i32>} : memref<1x20x200x4xf32, #tpu.memory_space<vmem>>, vector<1x20x200x4xf32>,
    return
  }
  func.func @transform_0(%arg0: i32) -> (i32, i32, i32, i32) {
    %c0_i32 = arith.constant 0 : i32
    %c0_i32_0 = arith.constant 0 : i32
    %c0_i32_1 = arith.constant 0 : i32
    %c0_i32_2 = arith.constant 0 : i32
    return %arg0, %c0_i32, %c0_i32_0, %c0_i32_1 : i32, i32, i32, i32
  }
  func.func @transform_1(%arg0: i32) -> (i32, i32, i32, i32) {
    %c0_i32 = arith.constant 0 : i32
    %c0_i32_0 = arith.constant 0 : i32
    %c0_i32_1 = arith.constant 0 : i32
    %c0_i32_2 = arith.constant 0 : i32
    return %arg0, %c0_i32, %c0_i32_0, %c0_i32_1 : i32, i32, i32, i32
  }
  func.func @transform_2(%arg0: i32) -> (i32, i32, i32) {
    %c0_i32 = arith.constant 0 : i32
    %c0_i32_0 = arith.constant 0 : i32
    %c0_i32_1 = arith.constant 0 : i32
    return %arg0, %c0_i32, %c0_i32_0 : i32, i32, i32
  }
  func.func @transform_3(%arg0: i32) -> (i32, i32, i32) {
    %c0_i32 = arith.constant 0 : i32
    %c0_i32_0 = arith.constant 0 : i32
    %c0_i32_1 = arith.constant 0 : i32
    return %arg0, %c0_i32, %c0_i32_0 : i32, i32, i32
  }
  func.func @transform_4(%arg0: i32) -> (i32, i32, i32, i32) {
    %c0_i32 = arith.constant 0 : i32
    %c0_i32_0 = arith.constant 0 : i32
    %c0_i32_1 = arith.constant 0 : i32
    %c0_i32_2 = arith.constant 0 : i32
    return %arg0, %c0_i32, %c0_i32_0, %c0_i32_1 : i32, i32, i32, i32
  }
}

</mosaic_0001>

<sc_bundles>
// kernel: gather_offload_async_start.1
scs
__scs_entry_jumppad:
0x0: {  	(pc) =	sbr.rel $0x88, $3  }
0x1: {  	(tag) =	ssettag $0x0;
	lr =	simm.s32 $0x1  }
0x2: {  	[smem:$0x3F9E] =	sst lr;
	_ =	strace $0xD0000000  }
0x3: {  	_ = 	snop  }
0x4: {  	_ = 	snop  }
0x5: {  	_ = 	snop  }
0x6: {  	_ = 	snop  }
0x7: {  	_ = 	snop  }
__scs_overlays_trampoline_lowered:
0x8: {  	[smem:$0x3FAD] =	sst s0  }
0x9: {  	[smem:$0x3FAE] =	sst s1  }
0xa: {  	[smem:$0x3FAF] =	sst s2  }
0xb: {  	[smem:$0x3FB0] =	sst s3  }
0xc: {  	[smem:$0x3FB1] =	sst s4  }
0xd: {  	[smem:$0x3FB2] =	sst s5  }
0xe: {  	[smem:$0x3FB3] =	sst s6  }
0xf: {  	[smem:$0x3FB4] =	sst s7  }
0x10: {  	[smem:$0x3FB5] =	sst s8  }
0x11: {  	[smem:$0x3FB6] =	sst s9;
	s0 =	simm.s32 @!p0 $0x0  }
0x12: {  	s1 =	sld [smem:$0x3F9C];
	s0 =	simm.s32 @p0 $0x1  }
0x13: {  	[smem:$0x3FB7] =	sst s0;
	s0 =	simm.s32 @!p1 $0x0  }
0x14: {  	s2 =	sld [smem:$0x3F9B];
	s0 =	simm.s32 @p1 $0x1  }
0x15: {  	[smem:$0x3FB8] =	sst s0;
	s0 =	simm.s32 @!p2 $0x0  }
0x16: {  	s3 =	sld [smem:$0x3FDB];
	s0 =	simm.s32 @p2 $0x1  }
0x17: {  	s4 =	simm.s32 $0x1BF5;
	[smem:$0x3FBA] =	sst s0  }
0x18: {  	s0 =	sld [smem:$0x3F9D];
	_ =	swait.ge [sflag:s4], $0x0  }
0x19: {  	s7 =	sld [smem:$0x3F9E]  }
0x1a: {  	s8 =	sadd.s32 $0xFFFFE003, lr  }
0x1b: {  	s9 =	sadd.s32 $0xFFFFFEF7, lr;
	s5 =	simm.s32 $0xFFFFFFFF;
	p2 =	slt.u32 s8, $0xFFFFF086  }
0x1c: {  	p1 =	slt.u32 s9, $0xF7A;
	s5 =	simm.s32 @!p2 $0x0  }
0x1d: {  	s5 =	simm.s32 @p1 $0x1;
	p0 =	seq.s32 s7, s2  }
0x1e: {  	s7 =	smul.u32 @!p0 $0xF7A, s2;
	p2 =	seq.s32 @!p0 s5, $0x0  }
0x1f: {  	s9 =	smul.u32 $0xF7A, s1;
	s8 =	simm.s32 @!p0 $0x1BF5;
	p2 =	por !p2, p0  }
0x20: {  	[sflag:s8] =	ssyncset.s32 @!p0 $0xFFFFF086;
	s6 =	sadd.s32 @!p0 s3, s7;
	s7 =	simm.s32 @!p0 $0x108  }
0x21: {  	s3 =	sadd.s32 s3, s9;
	s6 =	sadd.s32 @!p0 $0x88, s6;
	s7 =	simm.s32 @p2 $0x1082  }
0x22: {  	[simem:s7], [sflag:s8] =	dma.local @!p0 [hbm:s6], $0xF7A  }
0x23: {  	s9 =	sor.u32 $0xD0000000, s2;
	s6 =	simm.s32 $0x108;
	_ =	swait.ge @!p0 [sflag:s8], $0x0  }
0x24: {  	s3 =	sadd.s32 $0x88, s3;
	s6 =	simm.s32 @!p1 $0x1082;
	[sflag:s4] =	ssyncset.s32 $0xFFFFF086  }
0x25: {  	[simem:s6], [sflag:s4] =	dma.local [hbm:s3], $0xF7A  }
0x26: {  	[smem:$0x3F9E] =	sst s1;
	(tag) =	ssettag s2;
	_ =	strace s9  }
0x27: {  	s1 =	sld [smem:$0x3FAE]  }
0x28: {  	s2 =	sld [smem:$0x3FAF]  }
0x29: {  	s4 =	sld [smem:$0x3FB1]  }
0x2a: {  	p0 =	seq.s32 s5, $0x0;
	s5 =	sld [smem:$0x3FB2]  }
0x2b: {  	s6 =	sld [smem:$0x3FB3]  }
0x2c: {  	s7 =	sld [smem:$0x3FB4]  }
0x2d: {  	s3 =	simm.s32 $0x108;
	s8 =	sld [smem:$0x3FB5]  }
0x2e: {  	s3 =	simm.s32 @!p0 $0x1082;
	s9 =	sld [smem:$0x3FB6]  }
0x2f: {  	lr =	sadd.s32 s0, s3;
	s0 =	sld [smem:$0x3FAD]  }
0x30: {  	s3 =	sld [smem:$0x3FB0]  }
0x31: {  	[smem:$0x3FB9] =	sst s10  }
0x32: {  	s10 =	sld [smem:$0x3FB7];
	_ =	sdelay $0x3  }
0x33: {  	p0 =	seq.s32 s10, $0x1;
	s10 =	sld [smem:$0x3FB9];
	_ =	sdelay $0x3  }
0x34: {  	[smem:$0x3FB9] =	sst s10  }
0x35: {  	s10 =	sld [smem:$0x3FB8];
	_ =	sdelay $0x3  }
0x36: {  	p1 =	seq.s32 s10, $0x1;
	s10 =	sld [smem:$0x3FB9];
	_ =	sdelay $0x3  }
0x37: {  	[smem:$0x3FB9] =	sst s10  }
0x38: {  	s10 =	sld [smem:$0x3FBA]  }
0x39: {  	_ = 	snop;
	(pc) =	sbr.ind lr, $3  }
0x3a: {  	_ = 	snop  }
0x3b: {  	_ = 	snop  }
0x3c: {  	p2 =	seq.s32 s10, $0x1;
	s10 =	sld [smem:$0x3FB9]  }
0x3d: {  	_ =	shalt  }
0x3e: {  	_ =	shalt  }
0x3f: {  	_ =	shalt  }
0x40: {  	_ =	shalt  }
0x41: {  	_ =	shalt  }
0x42: {  	_ =	shalt  }
0x43: {  	_ =	shalt  }
0x44: {  	_ =	shalt  }
0x45: {  	_ =	shalt  }
0x46: {  	_ =	shalt  }
0x47: {  	_ =	shalt  }
0x48: {  	_ =	shalt  }
0x49: {  	_ =	shalt  }
0x4a: {  	_ =	shalt  }
0x4b: {  	_ =	shalt  }
0x4c: {  	_ =	shalt  }
0x4d: {  	_ =	shalt  }
0x4e: {  	_ =	shalt  }
0x4f: {  	_ =	shalt  }
0x50: {  	_ =	shalt  }
0x51: {  	_ =	shalt  }
0x52: {  	_ =	shalt  }
0x53: {  	_ =	shalt  }
0x54: {  	_ =	shalt  }
0x55: {  	_ =	shalt  }
0x56: {  	_ =	shalt  }
0x57: {  	_ =	shalt  }
0x58: {  	_ =	shalt  }
0x59: {  	_ =	shalt  }
0x5a: {  	_ =	shalt  }
0x5b: {  	_ =	shalt  }
0x5c: {  	_ =	shalt  }
0x5d: {  	_ =	shalt  }
0x5e: {  	_ =	shalt  }
0x5f: {  	_ =	shalt  }
0x60: {  	_ =	shalt  }
0x61: {  	_ =	shalt  }
0x62: {  	_ =	shalt  }
0x63: {  	_ =	shalt  }
0x64: {  	_ =	shalt  }
0x65: {  	_ =	shalt  }
0x66: {  	_ =	shalt  }
0x67: {  	_ =	shalt  }
0x68: {  	_ =	shalt  }
0x69: {  	_ =	shalt  }
0x6a: {  	_ =	shalt  }
0x6b: {  	_ =	shalt  }
0x6c: {  	_ =	shalt  }
0x6d: {  	_ =	shalt  }
0x6e: {  	_ =	shalt  }
0x6f: {  	_ =	shalt  }
0x70: {  	_ =	shalt  }
0x71: {  	_ =	shalt  }
0x72: {  	_ =	shalt  }
0x73: {  	_ =	shalt  }
0x74: {  	_ =	shalt  }
0x75: {  	_ =	shalt  }
0x76: {  	_ =	shalt  }
0x77: {  	_ =	shalt  }
0x78: {  	_ =	shalt  }
0x79: {  	_ =	shalt  }
0x7a: {  	_ =	shalt  }
0x7b: {  	_ =	shalt  }
0x7c: {  	_ =	shalt  }
0x7d: {  	_ =	shalt  }
0x7e: {  	_ =	shalt  }
0x7f: {  	_ =	shalt  }
0x80: {  	_ =	shalt  }
0x81: {  	_ =	shalt  }
0x82: {  	_ =	shalt  }
0x83: {  	_ =	shalt  }
0x84: {  	_ =	shalt  }
0x85: {  	_ =	shalt  }
0x86: {  	_ =	shalt  }
0x87: {  	_ =	shalt  }
.Lfunc_end0:
.L_simem_size_0:
called_computation.1_lowered:
.L_overlay_start_0:
0x88: {  	s2 =	sld [smem:$0x3FD9]  }
0x89: {  	s3 =	sld [smem:$0x3FFE];
	_ =	sdelay $0x1  }
0x8a: {  	s1 =	srdreg.scid  }
0x8b: {  	s0 =	sand.u32 $0x1, s1  }
0x8c: {  	s14 =	sshll.u32 s0, $0xA;
	s2 =	sadd.s32 s3, s2  }
0x8d: {  	s2 =	sadd.s32 s2, s14  }
0x8e: {  	[smem:$0x3FC5] =	sst s2  }
0x8f: {  	_ = 	snop  }
0x90: {  	s2 =	sld [smem:$0x3FD0];
	_ =	sdelay $0x2  }
0x91: {  	s15 =	simm.s32 $0xA;
	s4 =	simm.s32 $0x10  }
0x92: {  	[smem:s4], [sflag:s15] =	dma.local [hbm:s2], $0x1  }
0x93: {  	_ =	swait.eq [sflag:s15], $0x1  }
0x94: {  	[sflag:s15] =	ssyncset.done $0x0  }
0x95: {  	[sflag:s15] =	ssyncadd.s32 $0xFFFFFFFF  }
0x96: {  	s16 =	sld [smem:$0x10];
	(tm) =	ssettm $0x1  }
0x97: {  	s17 =	sld [smem:$0x3FFB];
	_ =	sdelay $0x3  }
0x98: {  	_ =	strace s17  }
0x99: {  	s3 =	sld [smem:$0x3FFC];
	_ =	sdelay $0x3  }
0x9a: {  	_ =	strace s3  }
0x9b: {  	s3 =	sld [smem:$0x3FFD];
	_ =	sdelay $0x3  }
0x9c: {  	_ =	strace s3  }
0x9d: {  	_ =	strace $0x8FFFFFFF  }
0x9e: {  	s18 =	sld [smem:$0x3FDB];
	_ =	sdelay $0x1  }
0x9f: {  	s19 =	simm.s32 $_scs_section_size  }
0xa0: {  	s5 =	simm.s32 $_size__tile_overlayer_lowered;
	s6 =	simm.s32 $_tile_overlayer_lowered  }
0xa1: {  	s22 =	simm.s32 $0x1BFF;
	s21 =	sshll.u32 s6, $0x1;
	s3 =	sadd.s32 s19, s18  }
0xa2: {  	s7 =	simm.s32 $0x0;
	s20 =	sshll.u32 s5, $0x1;
	s5 =	sadd.s32 s21, s3  }
0xa3: {  	[timem:s7], [sflag:s22] =	dma.local [hbm:s5], s20  }
0xa4: {  	_ =	swait.ge [sflag:s22], s20  }
0xa5: {  	s4 =	ssub.s32 $0x0, s20;
	[sflag:s22] =	ssyncset.done $0x0  }
0xa6: {  	[sflag:s22] =	ssyncadd.s32 s4;
	_ =	sdelay $0x1  }
0xa7: {  	s23 =	simm.s32 $0x1B8B  }
0xa8: {  	_ =	swait.ge [sflag:s23], $0x1  }
0xa9: {  	[sflag:s23] =	ssyncset.done $0x0  }
0xaa: {  	s25 =	simm.s32 $0x1B8E;
	s24 =	sld [smem:$0x3FFE];
	[sflag:s23] =	ssyncadd.s32 $0xFFFFFFFF  }
0xab: {  	s26 =	simm.s32 $execute0_lowered;
	[smem:$0x3FD2] =	sst s25  }
0xac: {  	s5 =	sshll.u32 s26, $0x1;
	_ =	strace $0x80000049;
	[dreg:$0x1] =	wrdreg $0xFFFFFFFF  }
0xad: {  	s28 =	simm.s32 $_size_execute0_lowered;
	s3 =	sadd.s32 s3, s5;
	[dreg:$0x0] =	wrdreg $0x0  }
0xae: {  	s5 =	sshll.u32 s28, $0x1;
	[dreg:$0x2] =	wrdreg s3  }
0xaf: {  	[dreg:$0x3] =	wrdreg s5  }
0xb0: {  	[dreg:$0x4] =	wrdreg $0xC0  }
0xb1: {  	_ =	task [dreg:s7], $0x5FFFF  }
0xb2: {  	[dreg:$0x1] =	wrdreg $0xFFFFFFFF  }
0xb3: {  	[dreg:$0x0] =	wrdreg $0x60  }
0xb4: {  	[dreg:$0x2] =	wrdreg s24  }
0xb5: {  	[dreg:$0x3] =	wrdreg s16  }
0xb6: {  	[dreg:$0x4] =	wrdreg $0x9  }
0xb7: {  	_ =	task.clear_ibuf [dreg:s7], $0x5FFFF;
	_ =	strace $0x90000049  }
0xb8: {  	s29 =	simm.s32 $0x9;
	_ =	strace $0x8000004B  }
0xb9: {  	_ =	swait.ge [sflag:s29], $0x1  }
0xba: {  	[sflag:s29] =	ssyncadd.s32 $0xFFFFFFFF  }
0xbb: {  	_ =	strace $0x9000004B  }
0xbc: {  	_ =	sfence  }
0xbd: {  	s30 =	sld [smem:$0x0];
	_ =	sdelay $0x2  }
0xbe: {  	s31 =	sshll.u32 s1, $0xD;
	s1 =	sshrl.u32 s1, $0x2  }
0xbf: {  	s3 =	sand.u32 $0x4000, s31;
	s1 =	sadd.s32 s1, s30  }
0xc0: {  	s0 =	sor.u32 s3, s0;
	s1 =	sshll.u32 s1, $0x11  }
0xc1: {  	s0 =	sor.u32 s1, s0  }
0xc2: {  	s0 =	sadd.s32 $0x8F2B, s0  }
0xc3: {  	[sflag:s0] =	ssyncadd.remote.s32 $0x1  }
0xc4: {  	_ =	sfence.sel $0xFFFF  }
0xc5: {  	[dreg:$0x0] =	wrdreg $0xFFFFFFFF;
	(pc) =	sbr.abs _section_cstart, $3  }
0xc6: {  	[dreg:$0x1] =	wrdreg $0xFFFFFFFF  }
0xc7: {  	_ =	task.clear_ibuf [dreg:s7], $0x2FFFF;
	_ =	strace $0x9FFFFFFF  }
0xc8: {  	(tm) =	ssettm $0x7FFFFFFF  }
0xc9: {  	_ =	shalt  }
tec
execute0_lowered:
.L_overlay_start_1:
0x0: {  	(tag) =	ssettag $0x1  }
0x1: {  	s0 =	srdreg.scid  }
0x2: {  	s1 =	sshll.u32 s0, $0x4  }
0x3: {  	s0 =	stileid.u32;
	s1 =	sand.u32 $0x10, s1  }
0x4: {  	s9 =	rddreg [dreg:$0x0];
	s1 =	sor.u32 s0, s1  }
0x5: {  	s3 =	rddreg [dreg:$0x1];
	s2 =	smin.u32 s1, $0x12  }
0x6: {  	p0 =	slt.u32 s1, $0x12;
	s2 =	sadd.s32 s1, s2;
	s1 =	simm.s32 $0x40  }
0x7: {  	s6 =	simm.s32 $0x1;
	s2 =	sshll.u32 s2, $0x5;
	s1 =	simm.s32 @!p0 $0x20  }
0x8: {  	s7 =	simm.s32 $0x2;
	s10 =	simm.s32 $0x3;
	s4 =	sadd.s32 s1, s2  }
0x9: {  	s13 =	simm.s32 $0x0;
	s12 =	simm.s32 $0x0;
	s4 =	smin.u32 s4, $0x640  }
.Ltmp0:
0xa: {  	s5 =	sadd.s32 $0xC00, s9;
	s8 =	ssub.s32 s4, s2;
	(pc) =	sbr.rel .LBB2_1-.Ltmp0, $4  }
0xb: {  	s1 =	rddreg [dreg:$0x2];
	_ =	strace $0x8000004A;
	p0 =	sgt.s32 s8, $0x0  }
0xc: {  	s9 =	sadd.s32 $0x7DC00, s9;
	[sflag:s6] =	ssyncpa.u1 $0x0;
	s8 =	simm.s32 @!p0 $0x0  }
0xd: {  	s11 =	smov.u32 s2;
	[sflag:s7] =	ssyncpa.u1 $0x0;
	s8 =	sshrl.u32 s8, $0x5  }
0xe: {  	vm0 =	vmmov $0xff;
	vm1 =	vcmask $0x3F20;
	[sflag:s10] =	ssyncpa.u1 $0x0;
	p0 =	por $0x0, $0x0;
	s10 =	sadd.s32 $0x1, s8  }
.LBB2_6:
0xf: {  	[hbm:s17] =	stream.linear.scatter [tilespmem:s14], [sflag:$0x3], $0x400, $0x38;
	[tilespmem:$0x2040] =	vst v63  }
.LBB2_7:
0x10: {  	s13 =	sadd.s32 $0x20, s11  }
0x11: {  	s15 =	smov.u32 s2;
	p2 =	slt.s32 s13, s4  }
0x12: {  	s15 =	smov.u32 @p2 s13;
	p2 =	sne.s32 s12, s10  }
.Ltmp1:
0x13: {  	p1 =	slt.u32 s12, $0x2;
	(pc) =	sbr.rel @!p2 .LBB2_8-.Ltmp1, $4  }
0x14: {  	s14 =	simm.s32 @!p1 $0x3  }
0x15: {  	s16 =	sadd.s32 $0x1, s12;
	_ =	swait.ge @!p1 [sflag:s14], $0x1000  }
0x16: {  	p0 =	por !p0, !p0;
	s13 =	smov.u32 s11;
	[sflag:s14] =	ssyncset.done @!p1 $0x0  }
0x17: {  	s12 =	smov.u32 s16;
	s11 =	smov.u32 s15;
	[sflag:s14] =	ssyncadd.s32 @!p1 $0xFFFFF000  }
.LBB2_1:
0x18: {  	p1 =	sge.u32 s12, s8  }
0x19: {  	s14 =	sxor.u32 @!p1 $0xFFFFFFFF, s12  }
0x1a: {  	s31 =	sadd.s32 $0xFFFFFFFF, s12;
	s15 =	sshrl.u32 @!p1 s11, $0x3;
	s14 =	sshll.u32 @!p1 s14, $0x5  }
0x1b: {  	s16 =	sand.u32 @!p1 $0x7, s11;
	s15 =	sadd.s32 @!p1 s3, s15;
	s14 =	sand.u32 @!p1 $0x20, s14  }
0x1c: {  	[tilespmem:s14], [sflag:$0x2] =	stream.linear.gather @!p1 [hbm4b:s15+s16], $0x20, $0x38;
	[tilespmem:$0x2040] =	vst v63  }
0x1d: {  	p1 =	sge.u32 s31, s8  }
.Ltmp2:
0x1e: {  	_ = 	snop;
	(pc) =	sbr.rel @p1 .LBB2_7-.Ltmp2, $1  }
0x1f: {  	_ =	sdelay $0x3  }
0x20: {  	s14 =	simm.s32 $0x1  }
0x21: {  	_ =	swait.ge [sflag:s7], $0x20;
	s16 =	sand.u32 $0x1, s12;
	s17 =	simm.s32 $0x0  }
0x22: {  	p1 =	por $0x1, $0x1;
	s14 =	simm.s32 @!p0 $0x0;
	[sflag:s7] =	ssyncset.done $0x0  }
0x23: {  	s15 =	sshll.u32 s16, $0x5;
	s16 =	sshll.u32 s16, $0xC;
	s14 =	sshll.u32 s14, $0xC  }
0x24: {  	[sflag:s7] =	ssyncadd.s32 $0xFFFFFFE0;
	s16 =	sor.u32 $0x40, s16;
	s14 =	sor.u32 $0x40, s14  }
.LBB2_3:
0x25: {  	s18 =	sshll.u32 s17, $0x4  }
0x26: {  	s18 =	sand.u32 $0x3FFFFFF0, s18  }
0x27: {  	s18 =	sadd.s32 s18, s15  }
0x28: {  	v0 =	vld.msk [tilespmem:s18+$0x0 ss:$0x1], $0xffff;
	_ =	sdelay $0x4  }
0x29: {  	v1 =	vand.u32 $0x7, v0;
	v2 =	vshll.u32 v0, $0x4  }
0x2a: {  	vm2 =	veq.s32 v0, $0x80000000;
	v61 =	vmul.u32 $0x7D000, v1;
	v62 =	vand.u32 $0x7FF80, v2  }
0x2b: {  	v1 =	vsel vm2, $0xFFFFFF80, v62  }
0x2c: {  	v0 =	vsel vm2, $0xFFF83000, v61;
	v63 =	vand.u32 $0xFFFFFC00, v1  }
0x2d: {  	v1 =	vand.u32 $0x380, v1;
	v0 =	vadd.s32 v0, v63  }
0x2e: {  	v0 =	vor.u32 v1, v0  }
0x2f: {  	v0 =	vshrl.u32 v0, $0x3;
	_ =	sdelay $0x1  }
0x30: {  	s31 =	sshll.u32 s17, $0xB  }
0x31: {  	p2 =	por p1, p1;
	s17 =	sand.u32 $0x3FFFF800, s31  }
.Ltmp3:
0x32: {  	s17 =	sadd.s32 s17, s16;
	(pc) =	sbr.rel @p2 .LBB2_3-.Ltmp3, $4  }
0x33: {  	[tilespmem:s17], [sflag:$0x1] =	stream.indirect_vreg.gather [hbm:s5], $0x80, v0, vm0, $0x38;
	[tilespmem:$0x2040] =	vst v63  }
0x34: {  	s17 =	sadd.s32 $0x400, s17  }
0x35: {  	[tilespmem:s17], [sflag:$0x1] =	stream.indirect_vreg.gather [hbm:s5], $0x80, v0, vm1, $0x38;
	[tilespmem:$0x2040] =	vst v63  }
0x36: {  	p1 =	por $0x0, $0x0;
	s17 =	simm.s32 $0x1  }
0x37: {  	_ =	swait.ge [sflag:s6], $0x1000;
	s13 =	sshll.u32 s13, $0x4  }
0x38: {  	s15 =	simm.s32 $0x80;
	[sflag:s6] =	ssyncset.done $0x0;
	s13 =	sadd.s32 s13, s9  }
0x39: {  	s16 =	sadd.s32 $0x400, s14;
	[sflag:s6] =	ssyncadd.s32 $0xFFFFF000;
	s17 =	sadd.s32 $0x0, s13  }
.LBB2_5:
0x3a: {  	[hbm:s17] =	stream.linear.scatter [tilespmem:s14], [sflag:$0x3], $0x400, $0x38;
	[tilespmem:$0x2040] =	vst v63  }
0x3b: {  	s17 =	smov.u32 s15;
	s14 =	smov.u32 s16;
	p1 =	sne.s32 s15, $0x180  }
.Ltmp4:
0x3c: {  	s15 =	sadd.s32 $0x80, s15;
	(pc) =	sbr.rel @p1 .LBB2_5-.Ltmp4, $2  }
0x3d: {  	_ =	sdelay $0x2  }
0x3e: {  	s16 =	sadd.s32 $0x400, s16;
	s17 =	sadd.s32 s17, s13  }
.Ltmp5:
0x3f: {  	_ = 	snop;
	(pc) =	sbr.rel .LBB2_6-.Ltmp5, $1  }
0x40: {  	_ =	sdelay $0x3  }
.LBB2_8:
0x41: {  	_ =	sfence.sel $0x180000  }
0x42: {  	s2 =	simm.s32 $0x2;
	[bflag:$0x0] =	sbarrier.arrive $0xFFFF  }
0x43: {  	s30 =	simm.s32 $0x3;
	[sflag:s2] =	ssyncpa.u1 $0x1  }
0x44: {  	s31 =	simm.s32 $0x1;
	[sflag:s30] =	ssyncpa.u1 $0x1  }
0x45: {  	[sflag:s31] =	ssyncpa.u1 $0x1  }
0x46: {  	p0 =	sne.s32 s0, $0x0;
	_ =	strace $0x9000004A  }
0x47: {  	s0 =	sadd.s32 @!p0 $0x100000, s1;
	[bflag:$0x2] =	sbarrier.arrive $0xFFFF  }
0x48: {  	[sflag:s0] =	ssyncadd.tile.s32 @!p0 $0x1;
	_ =	shalt  }
.Lfunc_end2:
_tile_overlayer_lowered:
.L_overlay_start_2:
0x49: {  	(tag) =	ssettag $0x2  }
0x4a: {  	s0 =	rddreg [dreg:$0x0];
	s2 =	stileid.u32  }
0x4b: {  	s1 =	rddreg [dreg:$0x1];
	p0 =	sne.s32 s2, $0x0  }
0x4c: {  	s3 =	rddreg [dreg:$0x2];
	[bflag:$0x3] =	sbarrier.arrive $0xFFFF;
	s2 =	simm.s32 @!p0 $0x1C01  }
0x4d: {  	[timem:s3], [sflag:s2] =	dma.local @!p0 [hbm:s0], s1  }
0x4e: {  	s0 =	simm.s32 @!p0 $0x1  }
0x4f: {  	_ =	swait.ge @!p0 [sflag:s0], s1  }
0x50: {  	s1 =	ssub.s32 @!p0 $0x0, s1;
	[sflag:s0] =	ssyncset.done @!p0 $0x0  }
0x51: {  	[sflag:s0] =	ssyncadd.s32 @!p0 s1  }
0x52: {  	[bflag:$0x3] =	sbarrier.arrive $0xFFFF  }
0x53: {  	_ =	shalt  }

// kernel: gather_offload_async_start
scs
__scs_entry_jumppad:
0x0: {  	(pc) =	sbr.rel $0x88, $3  }
0x1: {  	(tag) =	ssettag $0x0;
	lr =	simm.s32 $0x1  }
0x2: {  	[smem:$0x3F9E] =	sst lr;
	_ =	strace $0xD0000000  }
0x3: {  	_ = 	snop  }
0x4: {  	_ = 	snop  }
0x5: {  	_ = 	snop  }
0x6: {  	_ = 	snop  }
0x7: {  	_ = 	snop  }
__scs_overlays_trampoline_lowered:
0x8: {  	[smem:$0x3FAD] =	sst s0  }
0x9: {  	[smem:$0x3FAE] =	sst s1  }
0xa: {  	[smem:$0x3FAF] =	sst s2  }
0xb: {  	[smem:$0x3FB0] =	sst s3  }
0xc: {  	[smem:$0x3FB1] =	sst s4  }
0xd: {  	[smem:$0x3FB2] =	sst s5  }
0xe: {  	[smem:$0x3FB3] =	sst s6  }
0xf: {  	[smem:$0x3FB4] =	sst s7  }
0x10: {  	[smem:$0x3FB5] =	sst s8  }
0x11: {  	[smem:$0x3FB6] =	sst s9;
	s0 =	simm.s32 @!p0 $0x0  }
0x12: {  	s1 =	sld [smem:$0x3F9C];
	s0 =	simm.s32 @p0 $0x1  }
0x13: {  	[smem:$0x3FB7] =	sst s0;
	s0 =	simm.s32 @!p1 $0x0  }
0x14: {  	s2 =	sld [smem:$0x3F9B];
	s0 =	simm.s32 @p1 $0x1  }
0x15: {  	[smem:$0x3FB8] =	sst s0;
	s0 =	simm.s32 @!p2 $0x0  }
0x16: {  	s3 =	sld [smem:$0x3FDB];
	s0 =	simm.s32 @p2 $0x1  }
0x17: {  	s4 =	simm.s32 $0x1BF5;
	[smem:$0x3FBA] =	sst s0  }
0x18: {  	s0 =	sld [smem:$0x3F9D];
	_ =	swait.ge [sflag:s4], $0x0  }
0x19: {  	s7 =	sld [smem:$0x3F9E]  }
0x1a: {  	s8 =	sadd.s32 $0xFFFFE003, lr  }
0x1b: {  	s9 =	sadd.s32 $0xFFFFFEF7, lr;
	s5 =	simm.s32 $0xFFFFFFFF;
	p2 =	slt.u32 s8, $0xFFFFF086  }
0x1c: {  	p1 =	slt.u32 s9, $0xF7A;
	s5 =	simm.s32 @!p2 $0x0  }
0x1d: {  	s5 =	simm.s32 @p1 $0x1;
	p0 =	seq.s32 s7, s2  }
0x1e: {  	s7 =	smul.u32 @!p0 $0xF7A, s2;
	p2 =	seq.s32 @!p0 s5, $0x0  }
0x1f: {  	s9 =	smul.u32 $0xF7A, s1;
	s8 =	simm.s32 @!p0 $0x1BF5;
	p2 =	por !p2, p0  }
0x20: {  	[sflag:s8] =	ssyncset.s32 @!p0 $0xFFFFF086;
	s6 =	sadd.s32 @!p0 s3, s7;
	s7 =	simm.s32 @!p0 $0x108  }
0x21: {  	s3 =	sadd.s32 s3, s9;
	s6 =	sadd.s32 @!p0 $0x88, s6;
	s7 =	simm.s32 @p2 $0x1082  }
0x22: {  	[simem:s7], [sflag:s8] =	dma.local @!p0 [hbm:s6], $0xF7A  }
0x23: {  	s9 =	sor.u32 $0xD0000000, s2;
	s6 =	simm.s32 $0x108;
	_ =	swait.ge @!p0 [sflag:s8], $0x0  }
0x24: {  	s3 =	sadd.s32 $0x88, s3;
	s6 =	simm.s32 @!p1 $0x1082;
	[sflag:s4] =	ssyncset.s32 $0xFFFFF086  }
0x25: {  	[simem:s6], [sflag:s4] =	dma.local [hbm:s3], $0xF7A  }
0x26: {  	[smem:$0x3F9E] =	sst s1;
	(tag) =	ssettag s2;
	_ =	strace s9  }
0x27: {  	s1 =	sld [smem:$0x3FAE]  }
0x28: {  	s2 =	sld [smem:$0x3FAF]  }
0x29: {  	s4 =	sld [smem:$0x3FB1]  }
0x2a: {  	p0 =	seq.s32 s5, $0x0;
	s5 =	sld [smem:$0x3FB2]  }
0x2b: {  	s6 =	sld [smem:$0x3FB3]  }
0x2c: {  	s7 =	sld [smem:$0x3FB4]  }
0x2d: {  	s3 =	simm.s32 $0x108;
	s8 =	sld [smem:$0x3FB5]  }
0x2e: {  	s3 =	simm.s32 @!p0 $0x1082;
	s9 =	sld [smem:$0x3FB6]  }
0x2f: {  	lr =	sadd.s32 s0, s3;
	s0 =	sld [smem:$0x3FAD]  }
0x30: {  	s3 =	sld [smem:$0x3FB0]  }
0x31: {  	[smem:$0x3FB9] =	sst s10  }
0x32: {  	s10 =	sld [smem:$0x3FB7];
	_ =	sdelay $0x3  }
0x33: {  	p0 =	seq.s32 s10, $0x1;
	s10 =	sld [smem:$0x3FB9];
	_ =	sdelay $0x3  }
0x34: {  	[smem:$0x3FB9] =	sst s10  }
0x35: {  	s10 =	sld [smem:$0x3FB8];
	_ =	sdelay $0x3  }
0x36: {  	p1 =	seq.s32 s10, $0x1;
	s10 =	sld [smem:$0x3FB9];
	_ =	sdelay $0x3  }
0x37: {  	[smem:$0x3FB9] =	sst s10  }
0x38: {  	s10 =	sld [smem:$0x3FBA]  }
0x39: {  	_ = 	snop;
	(pc) =	sbr.ind lr, $3  }
0x3a: {  	_ = 	snop  }
0x3b: {  	_ = 	snop  }
0x3c: {  	p2 =	seq.s32 s10, $0x1;
	s10 =	sld [smem:$0x3FB9]  }
0x3d: {  	_ =	shalt  }
0x3e: {  	_ =	shalt  }
0x3f: {  	_ =	shalt  }
0x40: {  	_ =	shalt  }
0x41: {  	_ =	shalt  }
0x42: {  	_ =	shalt  }
0x43: {  	_ =	shalt  }
0x44: {  	_ =	shalt  }
0x45: {  	_ =	shalt  }
0x46: {  	_ =	shalt  }
0x47: {  	_ =	shalt  }
0x48: {  	_ =	shalt  }
0x49: {  	_ =	shalt  }
0x4a: {  	_ =	shalt  }
0x4b: {  	_ =	shalt  }
0x4c: {  	_ =	shalt  }
0x4d: {  	_ =	shalt  }
0x4e: {  	_ =	shalt  }
0x4f: {  	_ =	shalt  }
0x50: {  	_ =	shalt  }
0x51: {  	_ =	shalt  }
0x52: {  	_ =	shalt  }
0x53: {  	_ =	shalt  }
0x54: {  	_ =	shalt  }
0x55: {  	_ =	shalt  }
0x56: {  	_ =	shalt  }
0x57: {  	_ =	shalt  }
0x58: {  	_ =	shalt  }
0x59: {  	_ =	shalt  }
0x5a: {  	_ =	shalt  }
0x5b: {  	_ =	shalt  }
0x5c: {  	_ =	shalt  }
0x5d: {  	_ =	shalt  }
0x5e: {  	_ =	shalt  }
0x5f: {  	_ =	shalt  }
0x60: {  	_ =	shalt  }
0x61: {  	_ =	shalt  }
0x62: {  	_ =	shalt  }
0x63: {  	_ =	shalt  }
0x64: {  	_ =	shalt  }
0x65: {  	_ =	shalt  }
0x66: {  	_ =	shalt  }
0x67: {  	_ =	shalt  }
0x68: {  	_ =	shalt  }
0x69: {  	_ =	shalt  }
0x6a: {  	_ =	shalt  }
0x6b: {  	_ =	shalt  }
0x6c: {  	_ =	shalt  }
0x6d: {  	_ =	shalt  }
0x6e: {  	_ =	shalt  }
0x6f: {  	_ =	shalt  }
0x70: {  	_ =	shalt  }
0x71: {  	_ =	shalt  }
0x72: {  	_ =	shalt  }
0x73: {  	_ =	shalt  }
0x74: {  	_ =	shalt  }
0x75: {  	_ =	shalt  }
0x76: {  	_ =	shalt  }
0x77: {  	_ =	shalt  }
0x78: {  	_ =	shalt  }
0x79: {  	_ =	shalt  }
0x7a: {  	_ =	shalt  }
0x7b: {  	_ =	shalt  }
0x7c: {  	_ =	shalt  }
0x7d: {  	_ =	shalt  }
0x7e: {  	_ =	shalt  }
0x7f: {  	_ =	shalt  }
0x80: {  	_ =	shalt  }
0x81: {  	_ =	shalt  }
0x82: {  	_ =	shalt  }
0x83: {  	_ =	shalt  }
0x84: {  	_ =	shalt  }
0x85: {  	_ =	shalt  }
0x86: {  	_ =	shalt  }
0x87: {  	_ =	shalt  }
.Lfunc_end0:
.L_simem_size_0:
called_computation_lowered:
.L_overlay_start_0:
0x88: {  	s2 =	sld [smem:$0x3FD9]  }
0x89: {  	s3 =	sld [smem:$0x3FFE];
	_ =	sdelay $0x1  }
0x8a: {  	s1 =	srdreg.scid  }
0x8b: {  	s0 =	sand.u32 $0x1, s1  }
0x8c: {  	s16 =	sshll.u32 s0, $0xA;
	s2 =	sadd.s32 s3, s2  }
0x8d: {  	s2 =	sadd.s32 s2, s16  }
0x8e: {  	[smem:$0x3FC5] =	sst s2  }
0x8f: {  	_ = 	snop  }
0x90: {  	(tm) =	ssettm $0x1  }
0x91: {  	s17 =	sld [smem:$0x3FFB];
	_ =	sdelay $0x3  }
0x92: {  	_ =	strace s17  }
0x93: {  	s2 =	sld [smem:$0x3FFC];
	_ =	sdelay $0x3  }
0x94: {  	_ =	strace s2  }
0x95: {  	s2 =	sld [smem:$0x3FFD];
	_ =	sdelay $0x3  }
0x96: {  	_ =	strace s2  }
0x97: {  	_ =	strace $0x8FFFFFFF  }
0x98: {  	s18 =	sld [smem:$0x3FDB];
	_ =	sdelay $0x1  }
0x99: {  	s19 =	simm.s32 $_scs_section_size  }
0x9a: {  	s4 =	simm.s32 $_size__tile_overlayer_lowered;
	s5 =	simm.s32 $_tile_overlayer_lowered  }
0x9b: {  	s22 =	simm.s32 $0x1BFF;
	s21 =	sshll.u32 s5, $0x1;
	s2 =	sadd.s32 s19, s18  }
0x9c: {  	s6 =	simm.s32 $0x0;
	s20 =	sshll.u32 s4, $0x1;
	s4 =	sadd.s32 s21, s2  }
0x9d: {  	[timem:s6], [sflag:s22] =	dma.local [hbm:s4], s20  }
0x9e: {  	_ =	swait.ge [sflag:s22], s20  }
0x9f: {  	s3 =	ssub.s32 $0x0, s20;
	[sflag:s22] =	ssyncset.done $0x0  }
0xa0: {  	[sflag:s22] =	ssyncadd.s32 s3;
	_ =	sdelay $0x1  }
0xa1: {  	s23 =	simm.s32 $0x1B8B  }
0xa2: {  	_ =	swait.ge [sflag:s23], $0x1  }
0xa3: {  	[sflag:s23] =	ssyncset.done $0x0  }
0xa4: {  	s25 =	simm.s32 $0x1B8E;
	s24 =	sld [smem:$0x3FFE];
	[sflag:s23] =	ssyncadd.s32 $0xFFFFFFFF  }
0xa5: {  	s26 =	simm.s32 $execute0_lowered;
	[smem:$0x3FD2] =	sst s25  }
0xa6: {  	s4 =	sshll.u32 s26, $0x1;
	_ =	strace $0x80000046;
	[dreg:$0x1] =	wrdreg $0xFFFFFFFF  }
0xa7: {  	s28 =	simm.s32 $_size_execute0_lowered;
	s2 =	sadd.s32 s2, s4;
	[dreg:$0x0] =	wrdreg $0x0  }
0xa8: {  	s4 =	sshll.u32 s28, $0x1;
	[dreg:$0x2] =	wrdreg s2  }
0xa9: {  	[dreg:$0x3] =	wrdreg s4  }
0xaa: {  	[dreg:$0x4] =	wrdreg $0xC0  }
0xab: {  	_ =	task [dreg:s6], $0x5FFFF  }
0xac: {  	[dreg:$0x1] =	wrdreg $0xFFFFFFFF  }
0xad: {  	[dreg:$0x0] =	wrdreg $0x60  }
0xae: {  	[dreg:$0x2] =	wrdreg s24  }
0xaf: {  	[dreg:$0x3] =	wrdreg $0x9  }
0xb0: {  	_ =	task.clear_ibuf [dreg:s6], $0x4FFFF;
	_ =	strace $0x90000046  }
0xb1: {  	s29 =	simm.s32 $0x9;
	_ =	strace $0x80000048  }
0xb2: {  	_ =	swait.ge [sflag:s29], $0x1  }
0xb3: {  	[sflag:s29] =	ssyncadd.s32 $0xFFFFFFFF  }
0xb4: {  	_ =	strace $0x90000048  }
0xb5: {  	_ =	sfence  }
0xb6: {  	s30 =	sld [smem:$0x0];
	_ =	sdelay $0x2  }
0xb7: {  	s31 =	sshll.u32 s1, $0xD;
	s1 =	sshrl.u32 s1, $0x2  }
0xb8: {  	s3 =	sand.u32 $0x4000, s31;
	s1 =	sadd.s32 s1, s30  }
0xb9: {  	s0 =	sor.u32 s3, s0;
	s1 =	sshll.u32 s1, $0x11  }
0xba: {  	s0 =	sor.u32 s1, s0  }
0xbb: {  	s0 =	sadd.s32 $0x8F2B, s0  }
0xbc: {  	[sflag:s0] =	ssyncadd.remote.s32 $0x1  }
0xbd: {  	_ =	sfence.sel $0xFFFF  }
0xbe: {  	[dreg:$0x0] =	wrdreg $0xFFFFFFFF;
	(pc) =	sbr.abs _section_cstart, $3  }
0xbf: {  	[dreg:$0x1] =	wrdreg $0xFFFFFFFF  }
0xc0: {  	_ =	task.clear_ibuf [dreg:s6], $0x2FFFF;
	_ =	strace $0x9FFFFFFF  }
0xc1: {  	(tm) =	ssettm $0x7FFFFFFF  }
tec
execute0_lowered:
.L_overlay_start_1:
0x0: {  	(tag) =	ssettag $0x1  }
0x1: {  	s0 =	srdreg.scid  }
0x2: {  	s1 =	sshll.u32 s0, $0x4  }
0x3: {  	s0 =	stileid.u32;
	s1 =	sand.u32 $0x10, s1  }
0x4: {  	s1 =	sor.u32 s0, s1  }
0x5: {  	s2 =	smul.u32 $0x3, s1  }
0x6: {  	s3 =	smin.u32 s1, $0x4  }
0x7: {  	s2 =	sadd.s32 s3, s2  }
0x8: {  	p0 =	slt.u32 s1, $0x4;
	s1 =	simm.s32 $0x500;
	s2 =	smul.u32 $0x140, s2  }
0x9: {  	s1 =	simm.s32 @!p0 $0x3C0  }
0xa: {  	s1 =	sadd.s32 s1, s2  }
0xb: {  	s3 =	smin.u32 s1, $0x7D00  }
0xc: {  	s7 =	ssub.s32 s3, s2  }
0xd: {  	p0 =	sgt.s32 s7, $0x0  }
0xe: {  	s7 =	simm.s32 @!p0 $0x0  }
0xf: {  	s31 =	smul.u32 $0xCCCD, s7  }
0x10: {  	s9 =	rddreg [dreg:$0x0];
	s6 =	simm.s32 $0x1;
	s11 =	simm.s32 $0x3  }
0x11: {  	s13 =	simm.s32 $0x0;
	s12 =	simm.s32 $0x0;
	s8 =	sshrl.u32 s31, $0x18  }
0x12: {  	s4 =	sadd.s32 $0x2E600, s9;
	s5 =	sadd.s32 $0x2D600, s9;
	s10 =	smul.u32 $0x140, s8  }
.Ltmp0:
0x13: {  	s9 =	sadd.s32 $0x142600, s9;
	s1 =	rddreg [dreg:$0x1];
	(pc) =	sbr.rel .LBB2_1-.Ltmp0, $4  }
0x14: {  	_ =	strace $0x80000047;
	p0 =	sne.s32 s7, s10;
	s10 =	simm.s32 $0x1  }
0x15: {  	[sflag:s6] =	ssyncpa.u1 $0x0;
	s7 =	simm.s32 $0x2;
	s10 =	simm.s32 @!p0 $0x0  }
0x16: {  	[sflag:s7] =	ssyncpa.u1 $0x0;
	p0 =	por $0x0, $0x0;
	s8 =	sadd.s32 s8, s10  }
0x17: {  	vm0 =	vmmov $0xff;
	vm1 =	vcmask $0x3F20;
	[sflag:s11] =	ssyncpa.u1 $0x0;
	s11 =	smov.u32 s2;
	s10 =	sadd.s32 $0x1, s8  }
.LBB2_6:
0x18: {  	[hbm:s17] =	stream.linear.scatter [tilespmem:s14], [sflag:$0x3], $0x400, $0x38;
	[tilespmem:$0x14280] =	vst v63  }
.LBB2_7:
0x19: {  	s13 =	sadd.s32 $0x140, s11  }
0x1a: {  	s15 =	smov.u32 s2;
	p2 =	slt.s32 s13, s3  }
0x1b: {  	s15 =	smov.u32 @p2 s13;
	p2 =	sne.s32 s12, s10  }
.Ltmp1:
0x1c: {  	p1 =	slt.u32 s12, $0x2;
	(pc) =	sbr.rel @!p2 .LBB2_8-.Ltmp1, $4  }
0x1d: {  	s14 =	simm.s32 @!p1 $0x3  }
0x1e: {  	s16 =	sadd.s32 $0x1, s12;
	_ =	swait.ge @!p1 [sflag:s14], $0xA000  }
0x1f: {  	p0 =	por !p0, !p0;
	s13 =	smov.u32 s11;
	[sflag:s14] =	ssyncset.done @!p1 $0x0  }
0x20: {  	s12 =	smov.u32 s16;
	s11 =	smov.u32 s15;
	[sflag:s14] =	ssyncadd.s32 @!p1 $0xFFFF6000  }
.LBB2_1:
0x21: {  	p1 =	sge.u32 s12, s8  }
0x22: {  	s14 =	sxor.u32 @!p1 $0xFFFFFFFF, s12  }
0x23: {  	s14 =	sand.u32 @!p1 $0x1, s14  }
0x24: {  	s14 =	smul.u32 @!p1 $0x500, s14  }
0x25: {  	s31 =	sadd.s32 $0xFFFFFFFF, s12;
	s15 =	sshrl.u32 @!p1 s11, $0x3  }
0x26: {  	s16 =	sand.u32 @!p1 $0x7, s11;
	s15 =	sadd.s32 @!p1 s5, s15;
	s14 =	sshrl.u32 @!p1 s14, $0x2  }
0x27: {  	[tilespmem:s14], [sflag:$0x2] =	stream.linear.gather @!p1 [hbm4b:s15+s16], $0x140, $0x38;
	[tilespmem:$0x14280] =	vst v63  }
0x28: {  	p1 =	sge.u32 s31, s8  }
.Ltmp2:
0x29: {  	_ = 	snop;
	(pc) =	sbr.rel @p1 .LBB2_7-.Ltmp2, $1  }
0x2a: {  	_ =	sdelay $0x3  }
0x2b: {  	s14 =	simm.s32 $0x1  }
0x2c: {  	s14 =	simm.s32 @!p0 $0x0  }
0x2d: {  	s15 =	smul.u32 $0x500, s14  }
0x2e: {  	_ =	swait.ge [sflag:s7], $0x140  }
0x2f: {  	[sflag:s7] =	ssyncset.done $0x0;
	s16 =	sshrl.u32 s15, $0x2  }
0x30: {  	[sflag:s7] =	ssyncadd.s32 $0xFFFFFEC0;
	s15 =	sadd.s32 $0x0, s16  }
0x31: {  	v0 =	vld.msk [tilespmem:s15+$0x0 ss:$0x1], $0xffff;
	_ =	sdelay $0x4  }
0x32: {  	v1 =	vand.u32 $0x7, v0;
	v2 =	vshll.u32 v0, $0x4  }
0x33: {  	vm2 =	veq.s32 v0, $0x80000000;
	v0 =	vmul.u32 $0x114000, v1;
	v1 =	vand.u32 $0x1FFF80, v2  }
0x34: {  	v1 =	vsel vm2, $0xFFFFFF80, v1  }
0x35: {  	v0 =	vsel vm2, $0xFFEEC000, v0;
	v2 =	vand.u32 $0xFFFFFC00, v1  }
0x36: {  	v1 =	vand.u32 $0x380, v1;
	v0 =	vadd.s32 v0, v2  }
0x37: {  	v0 =	vor.u32 v1, v0  }
0x38: {  	v0 =	vshrl.u32 v0, $0x3  }
0x39: {  	s14 =	smul.u32 $0x28000, s14;
	_ =	sdelay $0x1  }
0x3a: {  	s14 =	sshrl.u32 s14, $0x2  }
0x3b: {  	s14 =	sor.u32 $0x280, s14  }
0x3c: {  	[tilespmem:s14], [sflag:$0x1] =	stream.indirect_vreg.gather [hbm:s4], $0x80, v0, vm0, $0x38;
	[tilespmem:$0x14280] =	vst v63  }
0x3d: {  	s17 =	sadd.s32 $0x10, s16;
	s15 =	sadd.s32 $0x400, s14  }
0x3e: {  	[tilespmem:s15], [sflag:$0x1] =	stream.indirect_vreg.gather [hbm:s4], $0x80, v0, vm1, $0x38;
	[tilespmem:$0x14280] =	vst v63  }
0x3f: {  	s18 =	simm.s32 $0x80;
	v0 =	vld.msk [tilespmem:s17+$0x0 ss:$0x1], $0xffff;
	s17 =	smov.u32 s14  }
.LBB2_3:
0x40: {  	p1 =	sne.s32 s18, $0x4C0;
	_ =	sdelay $0x4  }
0x41: {  	v1 =	vand.u32 $0x7, v0;
	v2 =	vshll.u32 v0, $0x4  }
0x42: {  	vm2 =	veq.s32 v0, $0x80000000;
	v0 =	vmul.u32 $0x114000, v1;
	v1 =	vand.u32 $0x1FFF80, v2  }
0x43: {  	v1 =	vsel vm2, $0xFFFFFF80, v1  }
0x44: {  	v0 =	vsel vm2, $0xFFEEC000, v0;
	v2 =	vand.u32 $0xFFFFFC00, v1  }
0x45: {  	v1 =	vand.u32 $0x380, v1;
	v0 =	vadd.s32 v0, v2  }
0x46: {  	v0 =	vor.u32 v1, v0  }
0x47: {  	v0 =	vshrl.u32 v0, $0x3;
	_ =	sdelay $0x3  }
.Ltmp3:
0x48: {  	s19 =	sshra.s32 s18, $0x2;
	s17 =	sadd.s32 $0x800, s17;
	(pc) =	sbr.rel @p1 .LBB2_3-.Ltmp3, $4  }
0x49: {  	[tilespmem:s17], [sflag:$0x1] =	stream.indirect_vreg.gather [hbm:s4], $0x80, v0, vm0, $0x38;
	[tilespmem:$0x14280] =	vst v63  }
0x4a: {  	s19 =	sadd.s32 s19, s16;
	s20 =	sadd.s32 $0x400, s17  }
0x4b: {  	[tilespmem:s20], [sflag:$0x1] =	stream.indirect_vreg.gather [hbm:s4], $0x80, v0, vm1, $0x38;
	[tilespmem:$0x14280] =	vst v63  }
0x4c: {  	s18 =	sadd.s32 $0x40, s18;
	v0 =	vld.msk [tilespmem:s19+$0x0 ss:$0x1], $0xffff  }
0x4d: {  	_ =	sdelay $0x3  }
0x4e: {  	v1 =	vand.u32 $0x7, v0;
	v2 =	vshll.u32 v0, $0x4  }
0x4f: {  	vm2 =	veq.s32 v0, $0x80000000;
	v61 =	vmul.u32 $0x114000, v1;
	v62 =	vand.u32 $0x1FFF80, v2  }
0x50: {  	v1 =	vsel vm2, $0xFFFFFF80, v62  }
0x51: {  	v0 =	vsel vm2, $0xFFEEC000, v61;
	v63 =	vand.u32 $0xFFFFFC00, v1  }
0x52: {  	v1 =	vand.u32 $0x380, v1;
	v0 =	vadd.s32 v0, v63  }
0x53: {  	v0 =	vor.u32 v1, v0  }
0x54: {  	v0 =	vshrl.u32 v0, $0x3;
	_ =	sdelay $0x3  }
0x55: {  	s16 =	sadd.s32 $0x800, s17  }
0x56: {  	[tilespmem:s16], [sflag:$0x1] =	stream.indirect_vreg.gather [hbm:s4], $0x80, v0, vm0, $0x38;
	[tilespmem:$0x14280] =	vst v63  }
0x57: {  	s16 =	sadd.s32 $0x400, s16  }
0x58: {  	[tilespmem:s16], [sflag:$0x1] =	stream.indirect_vreg.gather [hbm:s4], $0x80, v0, vm1, $0x38;
	[tilespmem:$0x14280] =	vst v63  }
0x59: {  	s13 =	sshll.u32 s13, $0x4;
	_ =	swait.ge [sflag:s6], $0xA000  }
0x5a: {  	s13 =	sadd.s32 s13, s9;
	[sflag:s6] =	ssyncset.done $0x0  }
0x5b: {  	s17 =	sadd.s32 $0x0, s13;
	s16 =	simm.s32 $0x80;
	[sflag:s6] =	ssyncadd.s32 $0xFFFF6000  }
.LBB2_5:
0x5c: {  	[hbm:s17] =	stream.linear.scatter [tilespmem:s14], [sflag:$0x3], $0x400, $0x38;
	[tilespmem:$0x14280] =	vst v63  }
0x5d: {  	s17 =	smov.u32 s16;
	s14 =	smov.u32 s15;
	p1 =	sne.s32 s16, $0x1380  }
.Ltmp4:
0x5e: {  	s16 =	sadd.s32 $0x80, s16;
	(pc) =	sbr.rel @p1 .LBB2_5-.Ltmp4, $2  }
0x5f: {  	_ =	sdelay $0x2  }
0x60: {  	s15 =	sadd.s32 $0x400, s15;
	s17 =	sadd.s32 s17, s13  }
.Ltmp5:
0x61: {  	_ = 	snop;
	(pc) =	sbr.rel .LBB2_6-.Ltmp5, $1  }
0x62: {  	_ =	sdelay $0x3  }
.LBB2_8:
0x63: {  	_ =	sfence.sel $0x180000  }
0x64: {  	s2 =	simm.s32 $0x2;
	[bflag:$0x0] =	sbarrier.arrive $0xFFFF  }
0x65: {  	s30 =	simm.s32 $0x3;
	[sflag:s2] =	ssyncpa.u1 $0x1  }
0x66: {  	s31 =	simm.s32 $0x1;
	[sflag:s30] =	ssyncpa.u1 $0x1  }
0x67: {  	[sflag:s31] =	ssyncpa.u1 $0x1  }
0x68: {  	p0 =	sne.s32 s0, $0x0;
	_ =	strace $0x90000047  }
0x69: {  	s0 =	sadd.s32 @!p0 $0x100000, s1;
	[bflag:$0x2] =	sbarrier.arrive $0xFFFF  }
0x6a: {  	[sflag:s0] =	ssyncadd.tile.s32 @!p0 $0x1;
	_ =	shalt  }
.Lfunc_end2:
_tile_overlayer_lowered:
.L_overlay_start_2:
0x6b: {  	(tag) =	ssettag $0x2  }
0x6c: {  	s0 =	rddreg [dreg:$0x0];
	s2 =	stileid.u32  }
0x6d: {  	s1 =	rddreg [dreg:$0x1];
	p0 =	sne.s32 s2, $0x0  }
0x6e: {  	s3 =	rddreg [dreg:$0x2];
	[bflag:$0x3] =	sbarrier.arrive $0xFFFF;
	s2 =	simm.s32 @!p0 $0x1C01  }
0x6f: {  	[timem:s3], [sflag:s2] =	dma.local @!p0 [hbm:s0], s1  }
0x70: {  	s0 =	simm.s32 @!p0 $0x1  }
0x71: {  	_ =	swait.ge @!p0 [sflag:s0], s1  }
0x72: {  	s1 =	ssub.s32 @!p0 $0x0, s1;
	[sflag:s0] =	ssyncset.done @!p0 $0x0  }
0x73: {  	[sflag:s0] =	ssyncadd.s32 @!p0 s1  }
0x74: {  	[bflag:$0x3] =	sbarrier.arrive $0xFFFF  }
0x75: {  	_ =	shalt  }

</sc_bundles>
